<compile_context>
chip_gen: v7x
topology: tpu7x:2x2x1
jax: 0.10.2.dev20260603
libtpu: 0.0.44.dev20260713+nightly
codegen_flags: <defaults>
</compile_context>

<pallas_src>
import functools

import numpy as np

import jax
import jax.numpy as jnp
from jax import lax
from jax.experimental import pallas as pl
from jax.experimental.pallas import tpu as pltpu
from jax.experimental.pallas import tpu_sc as plsc

_L = 200
_NB = 128
_G = 64
_SC_BATCHES = 64


def _tc_body(ts_ref, tw_ref, pos_ref, out_ref):
    ts = ts_ref[...].astype(jnp.float32)
    nxt = jnp.concatenate([ts[:, 1:], ts[:, _L - 1 : _L]], axis=1)
    diff = nxt[:, :, None] - ts[:, None, :]
    m = jnp.maximum(jnp.abs(diff), 1.0)
    b = (jnp.log(m) * jnp.float32(1.0 / 0.301)).astype(jnp.int32)
    g = ts.shape[0]
    table = jnp.broadcast_to(tw_ref[0][None, None, :], (g, _L, _NB))
    w = jnp.take_along_axis(table, b, axis=-1, mode="promise_in_bounds")
    out_ref[...] = w + pos_ref[...]


def _tc_call(timestamps, tw, pos, g, skip_blocks=0):
    Bsz = timestamps.shape[0]
    return pl.pallas_call(
        _tc_body,
        grid=(Bsz // g - skip_blocks,),
        in_specs=[
            pl.BlockSpec((g, _L), lambda i: (i + skip_blocks, 0)),
            pl.BlockSpec((1, _NB), lambda i: (0, 0)),
            pl.BlockSpec((_L, _L), lambda i: (0, 0)),
        ],
        out_specs=pl.BlockSpec((g, _L, _L), lambda i: (i + skip_blocks, 0, 0)),
        out_shape=jax.ShapeDtypeStruct((Bsz, _L, _L), jnp.float32),
    )(timestamps, tw, pos)


def _f32_bucket(m):
    mf = np.maximum(np.float32(m), np.float32(1.0))
    return int(np.log(mf, dtype=np.float32) / np.float32(0.301))


def _build_tables():
    ms = []
    k = 1
    while True:
        m = int(np.ceil(np.exp(0.301 * k)))
        if m > 2**24:
            break
        lo = m - 8
        while _f32_bucket(lo) >= k:
            lo -= 8
        while _f32_bucket(lo) < k:
            lo += 1
        ms.append(lo)
        k += 1
    ms = np.array(ms)
    tbl = 640
    pad = np.float32(2**29)
    b1 = np.full(tbl, pad, np.float32)
    b2 = np.full(tbl, pad, np.float32)
    b3 = np.full(tbl, pad, np.float32)
    w4idx = np.zeros(tbl, np.int64)
    for eo in range(0, 25):
        lo, hi = 2**eo, 2 ** (eo + 1)
        base = int((ms <= lo).sum())
        bnds = ms[(ms > lo) & (ms <= hi)]
        e4 = (127 + eo) * 4
        for c in range(4):
            w4idx[e4 + c] = min(base + c, _NB)
        for j, bnd in enumerate(bnds):
            [b1, b2, b3][j][e4] = np.float32(bnd)
    bits = lambda a: a.view(np.int32)
    return bits(b1), bits(b2), bits(b3), w4idx.astype(np.int32)


_B1_BITS, _B2_BITS, _B3_BITS, _W4IDX = _build_tables()

_NC = 2
_NS = 16
_NW = _NC * _NS
_J0S = tuple(range(0, 192, 16)) + (184,)


def _sc_body(ts_hbm, w4_hbm, b1_hbm, b2_hbm, b3_hbm, pw_hbm, out_hbm,
             w4_v, b1_v, b2_v, b3_v, pw_v, ts_v, tsf_v, out_v):
    wid = lax.axis_index("s") * _NC + lax.axis_index("c")
    nbatch = ts_hbm.shape[0] // _NW
    pltpu.sync_copy(w4_hbm, w4_v)
    pltpu.sync_copy(b1_hbm, b1_v)
    pltpu.sync_copy(b2_hbm, b2_v)
    pltpu.sync_copy(b3_hbm, b3_v)
    pltpu.sync_copy(pw_hbm, pw_v)

    def batch_body(bi, carry):
        b = wid * nbatch + bi
        pltpu.sync_copy(ts_hbm.at[b], ts_v)
        for j0 in _J0S:
            tsf_v[pl.ds(j0, 16)] = ts_v[pl.ds(j0, 16)].astype(jnp.float32)

        def row_body(i, carry2):
            nxt = tsf_v[pl.ds(jnp.minimum(i + 1, _L - 1), 16)][0]
            out_row = out_v.at[i]
            for j0 in _J0S:
                tsv = tsf_v[pl.ds(j0, 16)]
                m = jnp.maximum(jnp.abs(nxt - tsv), 1.0)
                u = lax.bitcast_convert_type(m, jnp.int32)
                e4 = lax.shift_right_logical(u, 21) & (-4)
                bb1 = plsc.load_gather(b1_v, [e4])
                bb2 = plsc.load_gather(b2_v, [e4])
                bb3 = plsc.load_gather(b3_v, [e4])
                cc = (
                    jnp.where(u >= bb1, 1, 0)
                    + jnp.where(u >= bb2, 1, 0)
                    + jnp.where(u >= bb3, 1, 0)
                )
                w = plsc.load_gather(w4_v, [e4 + cc])
                pv = pw_v[pl.ds(_L - 1 - i + j0, 16)]
                out_row[pl.ds(j0, 16)] = w + pv
            return carry2

        lax.fori_loop(0, _L, row_body, 0)
        pltpu.sync_copy(out_v, out_hbm.at[b])
        return carry

    lax.fori_loop(0, nbatch, batch_body, 0)


def _sc_call(timestamps, w4, b1, b2, b3, pw_pad):
    Bsz = timestamps.shape[0]
    mesh = plsc.VectorSubcoreMesh(core_axis_name="c", subcore_axis_name="s")
    fn = functools.partial(
        pl.kernel,
        mesh=mesh,
        compiler_params=pltpu.CompilerParams(
            use_tc_tiling_on_sc=False, needs_layout_passes=False
        ),
        out_type=jax.ShapeDtypeStruct((Bsz, _L, _L), jnp.float32),
        scratch_types=[
            pltpu.VMEM((640,), jnp.float32),
            pltpu.VMEM((640,), jnp.int32),
            pltpu.VMEM((640,), jnp.int32),
            pltpu.VMEM((640,), jnp.int32),
            pltpu.VMEM((408,), jnp.float32),
            pltpu.VMEM((_L,), jnp.int32),
            pltpu.VMEM((216,), jnp.float32),
            pltpu.VMEM((_L, _L), jnp.float32),
        ],
    )(_sc_body)
    return fn(timestamps, w4, b1, b2, b3, pw_pad)


def kernel(timestamps, timestamp_weights, position_weights):
    t = jnp.concatenate(
        [position_weights[: 2 * _L - 1], jnp.zeros((_L,), dtype=position_weights.dtype)]
    )
    t = jnp.tile(t, _L)[: -_L].reshape(_L, 3 * _L - 2)
    r = (2 * _L - 1) // 2
    pos = t[:, r : 3 * _L - 2 - r]

    w4 = jnp.take(timestamp_weights, jnp.asarray(_W4IDX), axis=0)
    pw_pad = jnp.concatenate(
        [position_weights, jnp.zeros((408 - (2 * _L - 1),), jnp.float32)]
    )
    tw = timestamp_weights[:_NB].reshape(1, _NB)

    s = _SC_BATCHES
    sc_out = _sc_call(
        timestamps[:s], w4, jnp.asarray(_B1_BITS), jnp.asarray(_B2_BITS),
        jnp.asarray(_B3_BITS), pw_pad,
    )
    tc_full = _tc_call(timestamps, tw, pos, _G, skip_blocks=s // _G)
    return lax.dynamic_update_slice(tc_full, sc_out, (0, 0, 0))

# --- scband reference (transcript-rebuilt; emitter-appended) ---
"""Pipeline reference for scband-relative-bucketed-time-and-position-based-bias-50500225466719 (READ-ONLY COPY).

The authoritative reference and input builder live on the scoring server;
editing this copy changes nothing except your own understanding.
"""

import jax, jax.numpy as jnp
import numpy as np

MAXLEN = 200
NUM_BUCKETS = 128
B = 1024


def setup_inputs(seed: int = 0) -> dict:
    key = jax.random.key(seed)
    k1, k2, k3 = jax.random.split(key, 3)
    timestamps = jnp.sort(
        jax.random.randint(k1, (B, MAXLEN), 0, 10000000, dtype=jnp.int32), axis=-1
    )
    timestamp_weights = 0.02 * jax.random.normal(k2, (NUM_BUCKETS + 1,), dtype=jnp.float32)
    position_weights = 0.02 * jax.random.normal(k3, (2 * MAXLEN - 1,), dtype=jnp.float32)
    return {
        "timestamps": timestamps,
        "timestamp_weights": timestamp_weights,
        "position_weights": position_weights,
    }


def _bucketization_fn(x):
    # (x.abs().clamp_min(1.0).log() / 0.301).long(); values are >= 0 so trunc == floor
    return (jnp.log(jnp.maximum(jnp.abs(x).astype(jnp.float32), 1.0)) / 0.301).astype(jnp.int32)


def reference(timestamps, timestamp_weights, position_weights):
    Bsz = timestamps.shape[0]
    L = MAXLEN
    # t = F.pad(position_weights[:2L-1], [0, L]).repeat(L)[:-L].reshape(1, L, 3L-2)
    t = jnp.concatenate([position_weights[: 2 * L - 1], jnp.zeros((L,), dtype=position_weights.dtype)])
    t = jnp.tile(t, L)[:-L].reshape(1, L, 3 * L - 2)
    r = (2 * L - 1) // 2
    ext = jnp.concatenate([timestamps, timestamps[:, L - 1 : L]], axis=1)
    diff = ext[:, 1:, None] - ext[:, None, :-1]  # (B, L, L)
    bucketed = jnp.clip(_bucketization_fn(diff), 0, NUM_BUCKETS)
    rel_pos_bias = t[:, :, r : 3 * L - 2 - r]  # (1, L, L)
    rel_ts_bias = jnp.take(timestamp_weights, bucketed.reshape(-1), axis=0).reshape(Bsz, L, L)
    return rel_pos_bias + rel_ts_bias

if __name__ == "__main__":
    import jax
    _d = setup_inputs()
    print(jax.jit(kernel)(*tuple(_d.values())))

</pallas_src>

<mosaic_0001>
#map = affine_map<(d0, d1) -> (0, 0)>
#map1 = affine_map<(d0, d1) -> (0)>
#map2 = affine_map<(d0, d1) -> (0, 0, 0)>
module attributes {stable_mosaic.version = 14 : i64} {
  func.func @_sc_body(%arg0: i32, %arg1: i32, %arg2: memref<64x200xi32, #tpu.memory_space<hbm>>, %arg3: memref<640xf32, #tpu.memory_space<hbm>>, %arg4: memref<640xi32, #tpu.memory_space<hbm>>, %arg5: memref<640xi32, #tpu.memory_space<hbm>>, %arg6: memref<640xi32, #tpu.memory_space<hbm>>, %arg7: memref<408xf32, #tpu.memory_space<hbm>>, %arg8: memref<64x200x200xf32, #tpu.memory_space<hbm>>, %arg9: memref<640xf32, #tpu.memory_space<vmem>>, %arg10: memref<640xi32, #tpu.memory_space<vmem>>, %arg11: memref<640xi32, #tpu.memory_space<vmem>>, %arg12: memref<640xi32, #tpu.memory_space<vmem>>, %arg13: memref<408xf32, #tpu.memory_space<vmem>>, %arg14: memref<200xi32, #tpu.memory_space<vmem>>, %arg15: memref<216xf32, #tpu.memory_space<vmem>>, %arg16: memref<200x200xf32, #tpu.memory_space<vmem>>) attributes {dimension_semantics = [#tpu.dimension_semantics<core_parallel>, #tpu.dimension_semantics<subcore_parallel>], iteration_bounds = array<i64: 2, 16>, scalar_prefetch = 0 : i64, scratch_operands = 8 : i64, tpu.core_type = #tpu.core_type<sc_vector_subcore>, window_params = [{transform_indices = #map}, {transform_indices = #map1}, {transform_indices = #map1}, {transform_indices = #map1}, {transform_indices = #map1}, {transform_indices = #map1}, {transform_indices = #map2}]} {
    %mul3A = arith.constant 2 : i32
    %mul3A_0 = arith.muli %arg1, %mul3A : i32
    %add3A = arith.addi %mul3A_0, %arg0 : i32
    "tpu.region"() ({
      %run_scoped3A = tpu.sem_alloc : memref<!tpu.dma_semaphore, #tpu.memory_space<semaphore_mem>>
      tpu.enqueue_dma source(%arg3 : memref<640xf32, #tpu.memory_space<hbm>>) target(%arg9 : memref<640xf32, #tpu.memory_space<vmem>>) target_semaphore(%run_scoped3A : memref<!tpu.dma_semaphore, #tpu.memory_space<semaphore_mem>>)
      tpu.wait_dma2 semaphore(%run_scoped3A : memref<!tpu.dma_semaphore, #tpu.memory_space<semaphore_mem>>) src(%arg3 : memref<640xf32, #tpu.memory_space<hbm>>) dst(%arg9 : memref<640xf32, #tpu.memory_space<vmem>>)
      tpu.yield
    }) : () -> ()
    "tpu.region"() ({
      %run_scoped3A = tpu.sem_alloc : memref<!tpu.dma_semaphore, #tpu.memory_space<semaphore_mem>>
      tpu.enqueue_dma source(%arg4 : memref<640xi32, #tpu.memory_space<hbm>>) target(%arg10 : memref<640xi32, #tpu.memory_space<vmem>>) target_semaphore(%run_scoped3A : memref<!tpu.dma_semaphore, #tpu.memory_space<semaphore_mem>>)
      tpu.wait_dma2 semaphore(%run_scoped3A : memref<!tpu.dma_semaphore, #tpu.memory_space<semaphore_mem>>) src(%arg4 : memref<640xi32, #tpu.memory_space<hbm>>) dst(%arg10 : memref<640xi32, #tpu.memory_space<vmem>>)
      tpu.yield
    }) : () -> ()
    "tpu.region"() ({
      %run_scoped3A = tpu.sem_alloc : memref<!tpu.dma_semaphore, #tpu.memory_space<semaphore_mem>>
      tpu.enqueue_dma source(%arg5 : memref<640xi32, #tpu.memory_space<hbm>>) target(%arg11 : memref<640xi32, #tpu.memory_space<vmem>>) target_semaphore(%run_scoped3A : memref<!tpu.dma_semaphore, #tpu.memory_space<semaphore_mem>>)
      tpu.wait_dma2 semaphore(%run_scoped3A : memref<!tpu.dma_semaphore, #tpu.memory_space<semaphore_mem>>) src(%arg5 : memref<640xi32, #tpu.memory_space<hbm>>) dst(%arg11 : memref<640xi32, #tpu.memory_space<vmem>>)
      tpu.yield
    }) : () -> ()
    "tpu.region"() ({
      %run_scoped3A = tpu.sem_alloc : memref<!tpu.dma_semaphore, #tpu.memory_space<semaphore_mem>>
      tpu.enqueue_dma source(%arg6 : memref<640xi32, #tpu.memory_space<hbm>>) target(%arg12 : memref<640xi32, #tpu.memory_space<vmem>>) target_semaphore(%run_scoped3A : memref<!tpu.dma_semaphore, #tpu.memory_space<semaphore_mem>>)
      tpu.wait_dma2 semaphore(%run_scoped3A : memref<!tpu.dma_semaphore, #tpu.memory_space<semaphore_mem>>) src(%arg6 : memref<640xi32, #tpu.memory_space<hbm>>) dst(%arg12 : memref<640xi32, #tpu.memory_space<vmem>>)
      tpu.yield
    }) : () -> ()
    "tpu.region"() ({
      %run_scoped3A = tpu.sem_alloc : memref<!tpu.dma_semaphore, #tpu.memory_space<semaphore_mem>>
      tpu.enqueue_dma source(%arg7 : memref<408xf32, #tpu.memory_space<hbm>>) target(%arg13 : memref<408xf32, #tpu.memory_space<vmem>>) target_semaphore(%run_scoped3A : memref<!tpu.dma_semaphore, #tpu.memory_space<semaphore_mem>>)
      tpu.wait_dma2 semaphore(%run_scoped3A : memref<!tpu.dma_semaphore, #tpu.memory_space<semaphore_mem>>) src(%arg7 : memref<408xf32, #tpu.memory_space<hbm>>) dst(%arg13 : memref<408xf32, #tpu.memory_space<vmem>>)
      tpu.yield
    }) : () -> ()
    %scan3A = arith.constant 0 : i32
    %scan3A_1 = arith.constant 0 : i32
    %scan3A_2 = arith.constant 2 : i32
    %scan3A_3 = arith.addi %scan3A_1, %scan3A_2 : i32
    %scan3A_4 = arith.constant 1 : i32
    scf.for %scan3A_6 = %scan3A_1 to %scan3A_3 step %scan3A_4  : i32 {
      %mul3A_7 = arith.constant 2 : i32
      %mul3A_8 = arith.muli %add3A, %mul3A_7 : i32
      %add3A_9 = arith.addi %mul3A_8, %scan3A_6 : i32
      "tpu.region"() ({
        %run_scoped3A = tpu.sem_alloc : memref<!tpu.dma_semaphore, #tpu.memory_space<semaphore_mem>>
        %dma_start3A = arith.constant 0 : i32
        %dma_start3A_78 = tpu.memref_slice %arg2[%add3A_9, %dma_start3A] : memref<64x200xi32, #tpu.memory_space<hbm>> -> memref<1x200xi32, #tpu.memory_space<hbm>>
        %dma_start3A_79 = tpu.memref_squeeze %dma_start3A_78 : memref<1x200xi32, #tpu.memory_space<hbm>> -> memref<200xi32, #tpu.memory_space<hbm>>
        %dma_start3A_80 = arith.constant 0 : i32
        %dma_start3A_81 = tpu.memref_slice %arg2[%add3A_9, %dma_start3A_80] : memref<64x200xi32, #tpu.memory_space<hbm>> -> memref<1x200xi32, #tpu.memory_space<hbm>>
        %dma_start3A_82 = tpu.memref_squeeze %dma_start3A_81 : memref<1x200xi32, #tpu.memory_space<hbm>> -> memref<200xi32, #tpu.memory_space<hbm>>
        tpu.enqueue_dma source(%dma_start3A_82 : memref<200xi32, #tpu.memory_space<hbm>>) target(%arg14 : memref<200xi32, #tpu.memory_space<vmem>>) target_semaphore(%run_scoped3A : memref<!tpu.dma_semaphore, #tpu.memory_space<semaphore_mem>>)
        %dma_wait3A = arith.constant 0 : i32
        %dma_wait3A_83 = tpu.memref_slice %arg2[%add3A_9, %dma_wait3A] : memref<64x200xi32, #tpu.memory_space<hbm>> -> memref<1x200xi32, #tpu.memory_space<hbm>>
        %dma_wait3A_84 = tpu.memref_squeeze %dma_wait3A_83 : memref<1x200xi32, #tpu.memory_space<hbm>> -> memref<200xi32, #tpu.memory_space<hbm>>
        %dma_wait3A_85 = arith.constant 0 : i32
        %dma_wait3A_86 = tpu.memref_slice %arg2[%add3A_9, %dma_wait3A_85] : memref<64x200xi32, #tpu.memory_space<hbm>> -> memref<1x200xi32, #tpu.memory_space<hbm>>
        %dma_wait3A_87 = tpu.memref_squeeze %dma_wait3A_86 : memref<1x200xi32, #tpu.memory_space<hbm>> -> memref<200xi32, #tpu.memory_space<hbm>>
        tpu.wait_dma2 semaphore(%run_scoped3A : memref<!tpu.dma_semaphore, #tpu.memory_space<semaphore_mem>>) src(%dma_wait3A_87 : memref<200xi32, #tpu.memory_space<hbm>>) dst(%arg14 : memref<200xi32, #tpu.memory_space<vmem>>)
        tpu.yield
      }) : () -> ()
      %get3A = arith.constant 0 : index
      %get3A_10 = tpu.vector_load %arg14[%get3A] {strides = array<i32>} : memref<200xi32, #tpu.memory_space<vmem>>, vector<16xi32>,
      %convert_element_type3A = arith.sitofp %get3A_10 : vector<16xi32> to vector<16xf32>
      %swap3A = arith.constant 0 : index
      %swap3A_11 = tpu.vector_load %arg15[%swap3A] {strides = array<i32>} : memref<216xf32, #tpu.memory_space<vmem>>, vector<16xf32>,
      tpu.vector_store %arg15[%swap3A], %convert_element_type3A {strides = array<i32>} : memref<216xf32, #tpu.memory_space<vmem>>, vector<16xf32>,
      %get3A_12 = arith.constant 16 : index
      %get3A_13 = tpu.vector_load %arg14[%get3A_12] {strides = array<i32>} : memref<200xi32, #tpu.memory_space<vmem>>, vector<16xi32>,
      %convert_element_type3A_14 = arith.sitofp %get3A_13 : vector<16xi32> to vector<16xf32>
      %swap3A_15 = arith.constant 16 : index
      %swap3A_16 = tpu.vector_load %arg15[%swap3A_15] {strides = array<i32>} : memref<216xf32, #tpu.memory_space<vmem>>, vector<16xf32>,
      tpu.vector_store %arg15[%swap3A_15], %convert_element_type3A_14 {strides = array<i32>} : memref<216xf32, #tpu.memory_space<vmem>>, vector<16xf32>,
      %get3A_17 = arith.constant 32 : index
      %get3A_18 = tpu.vector_load %arg14[%get3A_17] {strides = array<i32>} : memref<200xi32, #tpu.memory_space<vmem>>, vector<16xi32>,
      %convert_element_type3A_19 = arith.sitofp %get3A_18 : vector<16xi32> to vector<16xf32>
      %swap3A_20 = arith.constant 32 : index
      %swap3A_21 = tpu.vector_load %arg15[%swap3A_20] {strides = array<i32>} : memref<216xf32, #tpu.memory_space<vmem>>, vector<16xf32>,
      tpu.vector_store %arg15[%swap3A_20], %convert_element_type3A_19 {strides = array<i32>} : memref<216xf32, #tpu.memory_space<vmem>>, vector<16xf32>,
      %get3A_22 = arith.constant 48 : index
      %get3A_23 = tpu.vector_load %arg14[%get3A_22] {strides = array<i32>} : memref<200xi32, #tpu.memory_space<vmem>>, vector<16xi32>,
      %convert_element_type3A_24 = arith.sitofp %get3A_23 : vector<16xi32> to vector<16xf32>
      %swap3A_25 = arith.constant 48 : index
      %swap3A_26 = tpu.vector_load %arg15[%swap3A_25] {strides = array<i32>} : memref<216xf32, #tpu.memory_space<vmem>>, vector<16xf32>,
      tpu.vector_store %arg15[%swap3A_25], %convert_element_type3A_24 {strides = array<i32>} : memref<216xf32, #tpu.memory_space<vmem>>, vector<16xf32>,
      %get3A_27 = arith.constant 64 : index
      %get3A_28 = tpu.vector_load %arg14[%get3A_27] {strides = array<i32>} : memref<200xi32, #tpu.memory_space<vmem>>, vector<16xi32>,
      %convert_element_type3A_29 = arith.sitofp %get3A_28 : vector<16xi32> to vector<16xf32>
      %swap3A_30 = arith.constant 64 : index
      %swap3A_31 = tpu.vector_load %arg15[%swap3A_30] {strides = array<i32>} : memref<216xf32, #tpu.memory_space<vmem>>, vector<16xf32>,
      tpu.vector_store %arg15[%swap3A_30], %convert_element_type3A_29 {strides = array<i32>} : memref<216xf32, #tpu.memory_space<vmem>>, vector<16xf32>,
      %get3A_32 = arith.constant 80 : index
      %get3A_33 = tpu.vector_load %arg14[%get3A_32] {strides = array<i32>} : memref<200xi32, #tpu.memory_space<vmem>>, vector<16xi32>,
      %convert_element_type3A_34 = arith.sitofp %get3A_33 : vector<16xi32> to vector<16xf32>
      %swap3A_35 = arith.constant 80 : index
      %swap3A_36 = tpu.vector_load %arg15[%swap3A_35] {strides = array<i32>} : memref<216xf32, #tpu.memory_space<vmem>>, vector<16xf32>,
      tpu.vector_store %arg15[%swap3A_35], %convert_element_type3A_34 {strides = array<i32>} : memref<216xf32, #tpu.memory_space<vmem>>, vector<16xf32>,
      %get3A_37 = arith.constant 96 : index
      %get3A_38 = tpu.vector_load %arg14[%get3A_37] {strides = array<i32>} : memref<200xi32, #tpu.memory_space<vmem>>, vector<16xi32>,
      %convert_element_type3A_39 = arith.sitofp %get3A_38 : vector<16xi32> to vector<16xf32>
      %swap3A_40 = arith.constant 96 : index
      %swap3A_41 = tpu.vector_load %arg15[%swap3A_40] {strides = array<i32>} : memref<216xf32, #tpu.memory_space<vmem>>, vector<16xf32>,
      tpu.vector_store %arg15[%swap3A_40], %convert_element_type3A_39 {strides = array<i32>} : memref<216xf32, #tpu.memory_space<vmem>>, vector<16xf32>,
      %get3A_42 = arith.constant 112 : index
      %get3A_43 = tpu.vector_load %arg14[%get3A_42] {strides = array<i32>} : memref<200xi32, #tpu.memory_space<vmem>>, vector<16xi32>,
      %convert_element_type3A_44 = arith.sitofp %get3A_43 : vector<16xi32> to vector<16xf32>
      %swap3A_45 = arith.constant 112 : index
      %swap3A_46 = tpu.vector_load %arg15[%swap3A_45] {strides = array<i32>} : memref<216xf32, #tpu.memory_space<vmem>>, vector<16xf32>,
      tpu.vector_store %arg15[%swap3A_45], %convert_element_type3A_44 {strides = array<i32>} : memref<216xf32, #tpu.memory_space<vmem>>, vector<16xf32>,
      %get3A_47 = arith.constant 128 : index
      %get3A_48 = tpu.vector_load %arg14[%get3A_47] {strides = array<i32>} : memref<200xi32, #tpu.memory_space<vmem>>, vector<16xi32>,
      %convert_element_type3A_49 = arith.sitofp %get3A_48 : vector<16xi32> to vector<16xf32>
      %swap3A_50 = arith.constant 128 : index
      %swap3A_51 = tpu.vector_load %arg15[%swap3A_50] {strides = array<i32>} : memref<216xf32, #tpu.memory_space<vmem>>, vector<16xf32>,
      tpu.vector_store %arg15[%swap3A_50], %convert_element_type3A_49 {strides = array<i32>} : memref<216xf32, #tpu.memory_space<vmem>>, vector<16xf32>,
      %get3A_52 = arith.constant 144 : index
      %get3A_53 = tpu.vector_load %arg14[%get3A_52] {strides = array<i32>} : memref<200xi32, #tpu.memory_space<vmem>>, vector<16xi32>,
      %convert_element_type3A_54 = arith.sitofp %get3A_53 : vector<16xi32> to vector<16xf32>
      %swap3A_55 = arith.constant 144 : index
      %swap3A_56 = tpu.vector_load %arg15[%swap3A_55] {strides = array<i32>} : memref<216xf32, #tpu.memory_space<vmem>>, vector<16xf32>,
      tpu.vector_store %arg15[%swap3A_55], %convert_element_type3A_54 {strides = array<i32>} : memref<216xf32, #tpu.memory_space<vmem>>, vector<16xf32>,
      %get3A_57 = arith.constant 160 : index
      %get3A_58 = tpu.vector_load %arg14[%get3A_57] {strides = array<i32>} : memref<200xi32, #tpu.memory_space<vmem>>, vector<16xi32>,
      %convert_element_type3A_59 = arith.sitofp %get3A_58 : vector<16xi32> to vector<16xf32>
      %swap3A_60 = arith.constant 160 : index
      %swap3A_61 = tpu.vector_load %arg15[%swap3A_60] {strides = array<i32>} : memref<216xf32, #tpu.memory_space<vmem>>, vector<16xf32>,
      tpu.vector_store %arg15[%swap3A_60], %convert_element_type3A_59 {strides = array<i32>} : memref<216xf32, #tpu.memory_space<vmem>>, vector<16xf32>,
      %get3A_62 = arith.constant 176 : index
      %get3A_63 = tpu.vector_load %arg14[%get3A_62] {strides = array<i32>} : memref<200xi32, #tpu.memory_space<vmem>>, vector<16xi32>,
      %convert_element_type3A_64 = arith.sitofp %get3A_63 : vector<16xi32> to vector<16xf32>
      %swap3A_65 = arith.constant 176 : index
      %swap3A_66 = tpu.vector_load %arg15[%swap3A_65] {strides = array<i32>} : memref<216xf32, #tpu.memory_space<vmem>>, vector<16xf32>,
      tpu.vector_store %arg15[%swap3A_65], %convert_element_type3A_64 {strides = array<i32>} : memref<216xf32, #tpu.memory_space<vmem>>, vector<16xf32>,
      %get3A_67 = arith.constant 184 : index
      %get3A_68 = tpu.vector_load %arg14[%get3A_67] {strides = array<i32>} : memref<200xi32, #tpu.memory_space<vmem>>, vector<16xi32>,
      %convert_element_type3A_69 = arith.sitofp %get3A_68 : vector<16xi32> to vector<16xf32>
      %swap3A_70 = arith.constant 184 : index
      %swap3A_71 = tpu.vector_load %arg15[%swap3A_70] {strides = array<i32>} : memref<216xf32, #tpu.memory_space<vmem>>, vector<16xf32>,
      tpu.vector_store %arg15[%swap3A_70], %convert_element_type3A_69 {strides = array<i32>} : memref<216xf32, #tpu.memory_space<vmem>>, vector<16xf32>,
      %scan3A_72 = arith.constant 0 : i32
      %scan3A_73 = arith.constant 0 : i32
      %scan3A_74 = arith.constant 200 : i32
      %scan3A_75 = arith.addi %scan3A_73, %scan3A_74 : i32
      %scan3A_76 = arith.constant 1 : i32
      scf.for %scan3A_78 = %scan3A_73 to %scan3A_75 step %scan3A_76  : i32 {
        %add3A_79 = arith.constant 1 : i32
        %add3A_80 = arith.addi %scan3A_78, %add3A_79 : i32
        %min3A = arith.constant 199 : i32
        %min3A_81 = arith.minsi %add3A_80, %min3A : i32
        %get3A_82 = arith.index_cast %min3A_81 : i32 to index
        %get3A_83 = tpu.vector_load %arg15[%get3A_82] {strides = array<i32>} : memref<216xf32, #tpu.memory_space<vmem>>, vector<16xf32>,
        %slice3A = vector.extract_strided_slice %get3A_83 {offsets = [0], sizes = [1], strides = [1]} : vector<16xf32> to vector<1xf32>
        %squeeze3A = vector.extract %slice3A[0] : f32 from vector<1xf32>
        %get3A_84 = arith.constant 0 : index
        %get3A_85 = tpu.vector_load %arg15[%get3A_84] {strides = array<i32>} : memref<216xf32, #tpu.memory_space<vmem>>, vector<16xf32>,
        %sub3A = vector.broadcast %squeeze3A : f32 to vector<16xf32>
        %sub3A_86 = arith.subf %sub3A, %get3A_85 : vector<16xf32>
        %abs3A = math.absf %sub3A_86 : vector<16xf32>
        %max3A = arith.constant 1.000000e+00 : f32
        %max3A_87 = vector.broadcast %max3A : f32 to vector<16xf32>
        %max3A_88 = arith.maximumf %abs3A, %max3A_87 : vector<16xf32>
        %bitcast_convert_type3A = tpu.bitcast %max3A_88 : vector<16xf32> -> vector<16xi32>
        %shift_right_logical3A = arith.constant 21 : i32
        %shift_right_logical3A_89 = vector.broadcast %shift_right_logical3A : i32 to vector<16xi32>
        %shift_right_logical3A_90 = arith.shrui %bitcast_convert_type3A, %shift_right_logical3A_89 : vector<16xi32>
        %and3A = arith.constant -4 : i32
        %and3A_91 = vector.broadcast %and3A : i32 to vector<16xi32>
        %and3A_92 = arith.andi %shift_right_logical3A_90, %and3A_91 : vector<16xi32>
        %gather3A = tpu.vector_load_idx %arg10[%and3A_92] : memref<640xi32, #tpu.memory_space<vmem>>[vector<16xi32>], vector<16xi32>,
        %gather3A_93 = tpu.vector_load_idx %arg11[%and3A_92] : memref<640xi32, #tpu.memory_space<vmem>>[vector<16xi32>], vector<16xi32>,
        %gather3A_94 = tpu.vector_load_idx %arg12[%and3A_92] : memref<640xi32, #tpu.memory_space<vmem>>[vector<16xi32>], vector<16xi32>,
        %ge3A = arith.cmpi sge, %bitcast_convert_type3A, %gather3A : vector<16xi32>
        %jit3A = arith.constant 1 : i32
        %jit3A_95 = arith.constant 0 : i32
        %broadcast_in_dim3A = vector.broadcast %jit3A : i32 to vector<16xi32>
        %broadcast_in_dim3A_96 = vector.broadcast %jit3A_95 : i32 to vector<16xi32>
        %select_n3A = arith.select %ge3A, %broadcast_in_dim3A, %broadcast_in_dim3A_96 : vector<16xi1>, vector<16xi32>
        %ge3A_97 = arith.cmpi sge, %bitcast_convert_type3A, %gather3A_93 : vector<16xi32>
        %jit3A_98 = arith.constant 1 : i32
        %jit3A_99 = arith.constant 0 : i32
        %broadcast_in_dim3A_100 = vector.broadcast %jit3A_98 : i32 to vector<16xi32>
        %broadcast_in_dim3A_101 = vector.broadcast %jit3A_99 : i32 to vector<16xi32>
        %select_n3A_102 = arith.select %ge3A_97, %broadcast_in_dim3A_100, %broadcast_in_dim3A_101 : vector<16xi1>, vector<16xi32>
        %add3A_103 = arith.addi %select_n3A, %select_n3A_102 : vector<16xi32>
        %ge3A_104 = arith.cmpi sge, %bitcast_convert_type3A, %gather3A_94 : vector<16xi32>
        %jit3A_105 = arith.constant 1 : i32
        %jit3A_106 = arith.constant 0 : i32
        %broadcast_in_dim3A_107 = vector.broadcast %jit3A_105 : i32 to vector<16xi32>
        %broadcast_in_dim3A_108 = vector.broadcast %jit3A_106 : i32 to vector<16xi32>
        %select_n3A_109 = arith.select %ge3A_104, %broadcast_in_dim3A_107, %broadcast_in_dim3A_108 : vector<16xi1>, vector<16xi32>
        %add3A_110 = arith.addi %add3A_103, %select_n3A_109 : vector<16xi32>
        %add3A_111 = arith.addi %and3A_92, %add3A_110 : vector<16xi32>
        %gather3A_112 = tpu.vector_load_idx %arg9[%add3A_111] : memref<640xf32, #tpu.memory_space<vmem>>[vector<16xi32>], vector<16xf32>,
        %sub3A_113 = arith.constant 199 : i32
        %sub3A_114 = arith.subi %sub3A_113, %scan3A_78 : i32
        %add3A_115 = arith.constant 0 : i32
        %add3A_116 = arith.addi %sub3A_114, %add3A_115 : i32
        %get3A_117 = arith.index_cast %add3A_116 : i32 to index
        %get3A_118 = tpu.vector_load %arg13[%get3A_117] {strides = array<i32>} : memref<408xf32, #tpu.memory_space<vmem>>, vector<16xf32>,
        %add3A_119 = arith.addf %gather3A_112, %get3A_118 : vector<16xf32>
        %swap3A_120 = arith.constant 0 : i32
        %swap3A_121 = tpu.memref_slice %arg16[%scan3A_78, %swap3A_120] : memref<200x200xf32, #tpu.memory_space<vmem>> -> memref<1x200xf32, #tpu.memory_space<vmem>>
        %swap3A_122 = tpu.memref_squeeze %swap3A_121 : memref<1x200xf32, #tpu.memory_space<vmem>> -> memref<200xf32, #tpu.memory_space<vmem>>
        %swap3A_123 = arith.constant 0 : index
        %swap3A_124 = tpu.vector_load %swap3A_122[%swap3A_123] {strides = array<i32>} : memref<200xf32, #tpu.memory_space<vmem>>, vector<16xf32>,
        tpu.vector_store %swap3A_122[%swap3A_123], %add3A_119 {strides = array<i32>} : memref<200xf32, #tpu.memory_space<vmem>>, vector<16xf32>,
        %get3A_125 = arith.constant 16 : index
        %get3A_126 = tpu.vector_load %arg15[%get3A_125] {strides = array<i32>} : memref<216xf32, #tpu.memory_space<vmem>>, vector<16xf32>,
        %sub3A_127 = vector.broadcast %squeeze3A : f32 to vector<16xf32>
        %sub3A_128 = arith.subf %sub3A_127, %get3A_126 : vector<16xf32>
        %abs3A_129 = math.absf %sub3A_128 : vector<16xf32>
        %max3A_130 = arith.constant 1.000000e+00 : f32
        %max3A_131 = vector.broadcast %max3A_130 : f32 to vector<16xf32>
        %max3A_132 = arith.maximumf %abs3A_129, %max3A_131 : vector<16xf32>
        %bitcast_convert_type3A_133 = tpu.bitcast %max3A_132 : vector<16xf32> -> vector<16xi32>
        %shift_right_logical3A_134 = arith.constant 21 : i32
        %shift_right_logical3A_135 = vector.broadcast %shift_right_logical3A_134 : i32 to vector<16xi32>
        %shift_right_logical3A_136 = arith.shrui %bitcast_convert_type3A_133, %shift_right_logical3A_135 : vector<16xi32>
        %and3A_137 = arith.constant -4 : i32
        %and3A_138 = vector.broadcast %and3A_137 : i32 to vector<16xi32>
        %and3A_139 = arith.andi %shift_right_logical3A_136, %and3A_138 : vector<16xi32>
        %gather3A_140 = tpu.vector_load_idx %arg10[%and3A_139] : memref<640xi32, #tpu.memory_space<vmem>>[vector<16xi32>], vector<16xi32>,
        %gather3A_141 = tpu.vector_load_idx %arg11[%and3A_139] : memref<640xi32, #tpu.memory_space<vmem>>[vector<16xi32>], vector<16xi32>,
        %gather3A_142 = tpu.vector_load_idx %arg12[%and3A_139] : memref<640xi32, #tpu.memory_space<vmem>>[vector<16xi32>], vector<16xi32>,
        %ge3A_143 = arith.cmpi sge, %bitcast_convert_type3A_133, %gather3A_140 : vector<16xi32>
        %jit3A_144 = arith.constant 1 : i32
        %jit3A_145 = arith.constant 0 : i32
        %broadcast_in_dim3A_146 = vector.broadcast %jit3A_144 : i32 to vector<16xi32>
        %broadcast_in_dim3A_147 = vector.broadcast %jit3A_145 : i32 to vector<16xi32>
        %select_n3A_148 = arith.select %ge3A_143, %broadcast_in_dim3A_146, %broadcast_in_dim3A_147 : vector<16xi1>, vector<16xi32>
        %ge3A_149 = arith.cmpi sge, %bitcast_convert_type3A_133, %gather3A_141 : vector<16xi32>
        %jit3A_150 = arith.constant 1 : i32
        %jit3A_151 = arith.constant 0 : i32
        %broadcast_in_dim3A_152 = vector.broadcast %jit3A_150 : i32 to vector<16xi32>
        %broadcast_in_dim3A_153 = vector.broadcast %jit3A_151 : i32 to vector<16xi32>
        %select_n3A_154 = arith.select %ge3A_149, %broadcast_in_dim3A_152, %broadcast_in_dim3A_153 : vector<16xi1>, vector<16xi32>
        %add3A_155 = arith.addi %select_n3A_148, %select_n3A_154 : vector<16xi32>
        %ge3A_156 = arith.cmpi sge, %bitcast_convert_type3A_133, %gather3A_142 : vector<16xi32>
        %jit3A_157 = arith.constant 1 : i32
        %jit3A_158 = arith.constant 0 : i32
        %broadcast_in_dim3A_159 = vector.broadcast %jit3A_157 : i32 to vector<16xi32>
        %broadcast_in_dim3A_160 = vector.broadcast %jit3A_158 : i32 to vector<16xi32>
        %select_n3A_161 = arith.select %ge3A_156, %broadcast_in_dim3A_159, %broadcast_in_dim3A_160 : vector<16xi1>, vector<16xi32>
        %add3A_162 = arith.addi %add3A_155, %select_n3A_161 : vector<16xi32>
        %add3A_163 = arith.addi %and3A_139, %add3A_162 : vector<16xi32>
        %gather3A_164 = tpu.vector_load_idx %arg9[%add3A_163] : memref<640xf32, #tpu.memory_space<vmem>>[vector<16xi32>], vector<16xf32>,
        %sub3A_165 = arith.constant 199 : i32
        %sub3A_166 = arith.subi %sub3A_165, %scan3A_78 : i32
        %add3A_167 = arith.constant 16 : i32
        %add3A_168 = arith.addi %sub3A_166, %add3A_167 : i32
        %get3A_169 = arith.index_cast %add3A_168 : i32 to index
        %get3A_170 = tpu.vector_load %arg13[%get3A_169] {strides = array<i32>} : memref<408xf32, #tpu.memory_space<vmem>>, vector<16xf32>,
        %add3A_171 = arith.addf %gather3A_164, %get3A_170 : vector<16xf32>
        %swap3A_172 = arith.constant 0 : i32
        %swap3A_173 = tpu.memref_slice %arg16[%scan3A_78, %swap3A_172] : memref<200x200xf32, #tpu.memory_space<vmem>> -> memref<1x200xf32, #tpu.memory_space<vmem>>
        %swap3A_174 = tpu.memref_squeeze %swap3A_173 : memref<1x200xf32, #tpu.memory_space<vmem>> -> memref<200xf32, #tpu.memory_space<vmem>>
        %swap3A_175 = arith.constant 16 : index
        %swap3A_176 = tpu.vector_load %swap3A_174[%swap3A_175] {strides = array<i32>} : memref<200xf32, #tpu.memory_space<vmem>>, vector<16xf32>,
        tpu.vector_store %swap3A_174[%swap3A_175], %add3A_171 {strides = array<i32>} : memref<200xf32, #tpu.memory_space<vmem>>, vector<16xf32>,
        %get3A_177 = arith.constant 32 : index
        %get3A_178 = tpu.vector_load %arg15[%get3A_177] {strides = array<i32>} : memref<216xf32, #tpu.memory_space<vmem>>, vector<16xf32>,
        %sub3A_179 = vector.broadcast %squeeze3A : f32 to vector<16xf32>
        %sub3A_180 = arith.subf %sub3A_179, %get3A_178 : vector<16xf32>
        %abs3A_181 = math.absf %sub3A_180 : vector<16xf32>
        %max3A_182 = arith.constant 1.000000e+00 : f32
        %max3A_183 = vector.broadcast %max3A_182 : f32 to vector<16xf32>
        %max3A_184 = arith.maximumf %abs3A_181, %max3A_183 : vector<16xf32>
        %bitcast_convert_type3A_185 = tpu.bitcast %max3A_184 : vector<16xf32> -> vector<16xi32>
        %shift_right_logical3A_186 = arith.constant 21 : i32
        %shift_right_logical3A_187 = vector.broadcast %shift_right_logical3A_186 : i32 to vector<16xi32>
        %shift_right_logical3A_188 = arith.shrui %bitcast_convert_type3A_185, %shift_right_logical3A_187 : vector<16xi32>
        %and3A_189 = arith.constant -4 : i32
        %and3A_190 = vector.broadcast %and3A_189 : i32 to vector<16xi32>
        %and3A_191 = arith.andi %shift_right_logical3A_188, %and3A_190 : vector<16xi32>
        %gather3A_192 = tpu.vector_load_idx %arg10[%and3A_191] : memref<640xi32, #tpu.memory_space<vmem>>[vector<16xi32>], vector<16xi32>,
        %gather3A_193 = tpu.vector_load_idx %arg11[%and3A_191] : memref<640xi32, #tpu.memory_space<vmem>>[vector<16xi32>], vector<16xi32>,
        %gather3A_194 = tpu.vector_load_idx %arg12[%and3A_191] : memref<640xi32, #tpu.memory_space<vmem>>[vector<16xi32>], vector<16xi32>,
        %ge3A_195 = arith.cmpi sge, %bitcast_convert_type3A_185, %gather3A_192 : vector<16xi32>
        %jit3A_196 = arith.constant 1 : i32
        %jit3A_197 = arith.constant 0 : i32
        %broadcast_in_dim3A_198 = vector.broadcast %jit3A_196 : i32 to vector<16xi32>
        %broadcast_in_dim3A_199 = vector.broadcast %jit3A_197 : i32 to vector<16xi32>
        %select_n3A_200 = arith.select %ge3A_195, %broadcast_in_dim3A_198, %broadcast_in_dim3A_199 : vector<16xi1>, vector<16xi32>
        %ge3A_201 = arith.cmpi sge, %bitcast_convert_type3A_185, %gather3A_193 : vector<16xi32>
        %jit3A_202 = arith.constant 1 : i32
        %jit3A_203 = arith.constant 0 : i32
        %broadcast_in_dim3A_204 = vector.broadcast %jit3A_202 : i32 to vector<16xi32>
        %broadcast_in_dim3A_205 = vector.broadcast %jit3A_203 : i32 to vector<16xi32>
        %select_n3A_206 = arith.select %ge3A_201, %broadcast_in_dim3A_204, %broadcast_in_dim3A_205 : vector<16xi1>, vector<16xi32>
        %add3A_207 = arith.addi %select_n3A_200, %select_n3A_206 : vector<16xi32>
        %ge3A_208 = arith.cmpi sge, %bitcast_convert_type3A_185, %gather3A_194 : vector<16xi32>
        %jit3A_209 = arith.constant 1 : i32
        %jit3A_210 = arith.constant 0 : i32
        %broadcast_in_dim3A_211 = vector.broadcast %jit3A_209 : i32 to vector<16xi32>
        %broadcast_in_dim3A_212 = vector.broadcast %jit3A_210 : i32 to vector<16xi32>
        %select_n3A_213 = arith.select %ge3A_208, %broadcast_in_dim3A_211, %broadcast_in_dim3A_212 : vector<16xi1>, vector<16xi32>
        %add3A_214 = arith.addi %add3A_207, %select_n3A_213 : vector<16xi32>
        %add3A_215 = arith.addi %and3A_191, %add3A_214 : vector<16xi32>
        %gather3A_216 = tpu.vector_load_idx %arg9[%add3A_215] : memref<640xf32, #tpu.memory_space<vmem>>[vector<16xi32>], vector<16xf32>,
        %sub3A_217 = arith.constant 199 : i32
        %sub3A_218 = arith.subi %sub3A_217, %scan3A_78 : i32
        %add3A_219 = arith.constant 32 : i32
        %add3A_220 = arith.addi %sub3A_218, %add3A_219 : i32
        %get3A_221 = arith.index_cast %add3A_220 : i32 to index
        %get3A_222 = tpu.vector_load %arg13[%get3A_221] {strides = array<i32>} : memref<408xf32, #tpu.memory_space<vmem>>, vector<16xf32>,
        %add3A_223 = arith.addf %gather3A_216, %get3A_222 : vector<16xf32>
        %swap3A_224 = arith.constant 0 : i32
        %swap3A_225 = tpu.memref_slice %arg16[%scan3A_78, %swap3A_224] : memref<200x200xf32, #tpu.memory_space<vmem>> -> memref<1x200xf32, #tpu.memory_space<vmem>>
        %swap3A_226 = tpu.memref_squeeze %swap3A_225 : memref<1x200xf32, #tpu.memory_space<vmem>> -> memref<200xf32, #tpu.memory_space<vmem>>
        %swap3A_227 = arith.constant 32 : index
        %swap3A_228 = tpu.vector_load %swap3A_226[%swap3A_227] {strides = array<i32>} : memref<200xf32, #tpu.memory_space<vmem>>, vector<16xf32>,
        tpu.vector_store %swap3A_226[%swap3A_227], %add3A_223 {strides = array<i32>} : memref<200xf32, #tpu.memory_space<vmem>>, vector<16xf32>,
        %get3A_229 = arith.constant 48 : index
        %get3A_230 = tpu.vector_load %arg15[%get3A_229] {strides = array<i32>} : memref<216xf32, #tpu.memory_space<vmem>>, vector<16xf32>,
        %sub3A_231 = vector.broadcast %squeeze3A : f32 to vector<16xf32>
        %sub3A_232 = arith.subf %sub3A_231, %get3A_230 : vector<16xf32>
        %abs3A_233 = math.absf %sub3A_232 : vector<16xf32>
        %max3A_234 = arith.constant 1.000000e+00 : f32
        %max3A_235 = vector.broadcast %max3A_234 : f32 to vector<16xf32>
        %max3A_236 = arith.maximumf %abs3A_233, %max3A_235 : vector<16xf32>
        %bitcast_convert_type3A_237 = tpu.bitcast %max3A_236 : vector<16xf32> -> vector<16xi32>
        %shift_right_logical3A_238 = arith.constant 21 : i32
        %shift_right_logical3A_239 = vector.broadcast %shift_right_logical3A_238 : i32 to vector<16xi32>
        %shift_right_logical3A_240 = arith.shrui %bitcast_convert_type3A_237, %shift_right_logical3A_239 : vector<16xi32>
        %and3A_241 = arith.constant -4 : i32
        %and3A_242 = vector.broadcast %and3A_241 : i32 to vector<16xi32>
        %and3A_243 = arith.andi %shift_right_logical3A_240, %and3A_242 : vector<16xi32>
        %gather3A_244 = tpu.vector_load_idx %arg10[%and3A_243] : memref<640xi32, #tpu.memory_space<vmem>>[vector<16xi32>], vector<16xi32>,
        %gather3A_245 = tpu.vector_load_idx %arg11[%and3A_243] : memref<640xi32, #tpu.memory_space<vmem>>[vector<16xi32>], vector<16xi32>,
        %gather3A_246 = tpu.vector_load_idx %arg12[%and3A_243] : memref<640xi32, #tpu.memory_space<vmem>>[vector<16xi32>], vector<16xi32>,
        %ge3A_247 = arith.cmpi sge, %bitcast_convert_type3A_237, %gather3A_244 : vector<16xi32>
        %jit3A_248 = arith.constant 1 : i32
        %jit3A_249 = arith.constant 0 : i32
        %broadcast_in_dim3A_250 = vector.broadcast %jit3A_248 : i32 to vector<16xi32>
        %broadcast_in_dim3A_251 = vector.broadcast %jit3A_249 : i32 to vector<16xi32>
        %select_n3A_252 = arith.select %ge3A_247, %broadcast_in_dim3A_250, %broadcast_in_dim3A_251 : vector<16xi1>, vector<16xi32>
        %ge3A_253 = arith.cmpi sge, %bitcast_convert_type3A_237, %gather3A_245 : vector<16xi32>
        %jit3A_254 = arith.constant 1 : i32
        %jit3A_255 = arith.constant 0 : i32
        %broadcast_in_dim3A_256 = vector.broadcast %jit3A_254 : i32 to vector<16xi32>
        %broadcast_in_dim3A_257 = vector.broadcast %jit3A_255 : i32 to vector<16xi32>
        %select_n3A_258 = arith.select %ge3A_253, %broadcast_in_dim3A_256, %broadcast_in_dim3A_257 : vector<16xi1>, vector<16xi32>
        %add3A_259 = arith.addi %select_n3A_252, %select_n3A_258 : vector<16xi32>
        %ge3A_260 = arith.cmpi sge, %bitcast_convert_type3A_237, %gather3A_246 : vector<16xi32>
        %jit3A_261 = arith.constant 1 : i32
        %jit3A_262 = arith.constant 0 : i32
        %broadcast_in_dim3A_263 = vector.broadcast %jit3A_261 : i32 to vector<16xi32>
        %broadcast_in_dim3A_264 = vector.broadcast %jit3A_262 : i32 to vector<16xi32>
        %select_n3A_265 = arith.select %ge3A_260, %broadcast_in_dim3A_263, %broadcast_in_dim3A_264 : vector<16xi1>, vector<16xi32>
        %add3A_266 = arith.addi %add3A_259, %select_n3A_265 : vector<16xi32>
        %add3A_267 = arith.addi %and3A_243, %add3A_266 : vector<16xi32>
        %gather3A_268 = tpu.vector_load_idx %arg9[%add3A_267] : memref<640xf32, #tpu.memory_space<vmem>>[vector<16xi32>], vector<16xf32>,
        %sub3A_269 = arith.constant 199 : i32
        %sub3A_270 = arith.subi %sub3A_269, %scan3A_78 : i32
        %add3A_271 = arith.constant 48 : i32
        %add3A_272 = arith.addi %sub3A_270, %add3A_271 : i32
        %get3A_273 = arith.index_cast %add3A_272 : i32 to index
        %get3A_274 = tpu.vector_load %arg13[%get3A_273] {strides = array<i32>} : memref<408xf32, #tpu.memory_space<vmem>>, vector<16xf32>,
        %add3A_275 = arith.addf %gather3A_268, %get3A_274 : vector<16xf32>
        %swap3A_276 = arith.constant 0 : i32
        %swap3A_277 = tpu.memref_slice %arg16[%scan3A_78, %swap3A_276] : memref<200x200xf32, #tpu.memory_space<vmem>> -> memref<1x200xf32, #tpu.memory_space<vmem>>
        %swap3A_278 = tpu.memref_squeeze %swap3A_277 : memref<1x200xf32, #tpu.memory_space<vmem>> -> memref<200xf32, #tpu.memory_space<vmem>>
        %swap3A_279 = arith.constant 48 : index
        %swap3A_280 = tpu.vector_load %swap3A_278[%swap3A_279] {strides = array<i32>} : memref<200xf32, #tpu.memory_space<vmem>>, vector<16xf32>,
        tpu.vector_store %swap3A_278[%swap3A_279], %add3A_275 {strides = array<i32>} : memref<200xf32, #tpu.memory_space<vmem>>, vector<16xf32>,
        %get3A_281 = arith.constant 64 : index
        %get3A_282 = tpu.vector_load %arg15[%get3A_281] {strides = array<i32>} : memref<216xf32, #tpu.memory_space<vmem>>, vector<16xf32>,
        %sub3A_283 = vector.broadcast %squeeze3A : f32 to vector<16xf32>
        %sub3A_284 = arith.subf %sub3A_283, %get3A_282 : vector<16xf32>
        %abs3A_285 = math.absf %sub3A_284 : vector<16xf32>
        %max3A_286 = arith.constant 1.000000e+00 : f32
        %max3A_287 = vector.broadcast %max3A_286 : f32 to vector<16xf32>
        %max3A_288 = arith.maximumf %abs3A_285, %max3A_287 : vector<16xf32>
        %bitcast_convert_type3A_289 = tpu.bitcast %max3A_288 : vector<16xf32> -> vector<16xi32>
        %shift_right_logical3A_290 = arith.constant 21 : i32
        %shift_right_logical3A_291 = vector.broadcast %shift_right_logical3A_290 : i32 to vector<16xi32>
        %shift_right_logical3A_292 = arith.shrui %bitcast_convert_type3A_289, %shift_right_logical3A_291 : vector<16xi32>
        %and3A_293 = arith.constant -4 : i32
        %and3A_294 = vector.broadcast %and3A_293 : i32 to vector<16xi32>
        %and3A_295 = arith.andi %shift_right_logical3A_292, %and3A_294 : vector<16xi32>
        %gather3A_296 = tpu.vector_load_idx %arg10[%and3A_295] : memref<640xi32, #tpu.memory_space<vmem>>[vector<16xi32>], vector<16xi32>,
        %gather3A_297 = tpu.vector_load_idx %arg11[%and3A_295] : memref<640xi32, #tpu.memory_space<vmem>>[vector<16xi32>], vector<16xi32>,
        %gather3A_298 = tpu.vector_load_idx %arg12[%and3A_295] : memref<640xi32, #tpu.memory_space<vmem>>[vector<16xi32>], vector<16xi32>,
        %ge3A_299 = arith.cmpi sge, %bitcast_convert_type3A_289, %gather3A_296 : vector<16xi32>
        %jit3A_300 = arith.constant 1 : i32
        %jit3A_301 = arith.constant 0 : i32
        %broadcast_in_dim3A_302 = vector.broadcast %jit3A_300 : i32 to vector<16xi32>
        %broadcast_in_dim3A_303 = vector.broadcast %jit3A_301 : i32 to vector<16xi32>
        %select_n3A_304 = arith.select %ge3A_299, %broadcast_in_dim3A_302, %broadcast_in_dim3A_303 : vector<16xi1>, vector<16xi32>
        %ge3A_305 = arith.cmpi sge, %bitcast_convert_type3A_289, %gather3A_297 : vector<16xi32>
        %jit3A_306 = arith.constant 1 : i32
        %jit3A_307 = arith.constant 0 : i32
        %broadcast_in_dim3A_308 = vector.broadcast %jit3A_306 : i32 to vector<16xi32>
        %broadcast_in_dim3A_309 = vector.broadcast %jit3A_307 : i32 to vector<16xi32>
        %select_n3A_310 = arith.select %ge3A_305, %broadcast_in_dim3A_308, %broadcast_in_dim3A_309 : vector<16xi1>, vector<16xi32>
        %add3A_311 = arith.addi %select_n3A_304, %select_n3A_310 : vector<16xi32>
        %ge3A_312 = arith.cmpi sge, %bitcast_convert_type3A_289, %gather3A_298 : vector<16xi32>
        %jit3A_313 = arith.constant 1 : i32
        %jit3A_314 = arith.constant 0 : i32
        %broadcast_in_dim3A_315 = vector.broadcast %jit3A_313 : i32 to vector<16xi32>
        %broadcast_in_dim3A_316 = vector.broadcast %jit3A_314 : i32 to vector<16xi32>
        %select_n3A_317 = arith.select %ge3A_312, %broadcast_in_dim3A_315, %broadcast_in_dim3A_316 : vector<16xi1>, vector<16xi32>
        %add3A_318 = arith.addi %add3A_311, %select_n3A_317 : vector<16xi32>
        %add3A_319 = arith.addi %and3A_295, %add3A_318 : vector<16xi32>
        %gather3A_320 = tpu.vector_load_idx %arg9[%add3A_319] : memref<640xf32, #tpu.memory_space<vmem>>[vector<16xi32>], vector<16xf32>,
        %sub3A_321 = arith.constant 199 : i32
        %sub3A_322 = arith.subi %sub3A_321, %scan3A_78 : i32
        %add3A_323 = arith.constant 64 : i32
        %add3A_324 = arith.addi %sub3A_322, %add3A_323 : i32
        %get3A_325 = arith.index_cast %add3A_324 : i32 to index
        %get3A_326 = tpu.vector_load %arg13[%get3A_325] {strides = array<i32>} : memref<408xf32, #tpu.memory_space<vmem>>, vector<16xf32>,
        %add3A_327 = arith.addf %gather3A_320, %get3A_326 : vector<16xf32>
        %swap3A_328 = arith.constant 0 : i32
        %swap3A_329 = tpu.memref_slice %arg16[%scan3A_78, %swap3A_328] : memref<200x200xf32, #tpu.memory_space<vmem>> -> memref<1x200xf32, #tpu.memory_space<vmem>>
        %swap3A_330 = tpu.memref_squeeze %swap3A_329 : memref<1x200xf32, #tpu.memory_space<vmem>> -> memref<200xf32, #tpu.memory_space<vmem>>
        %swap3A_331 = arith.constant 64 : index
        %swap3A_332 = tpu.vector_load %swap3A_330[%swap3A_331] {strides = array<i32>} : memref<200xf32, #tpu.memory_space<vmem>>, vector<16xf32>,
        tpu.vector_store %swap3A_330[%swap3A_331], %add3A_327 {strides = array<i32>} : memref<200xf32, #tpu.memory_space<vmem>>, vector<16xf32>,
        %get3A_333 = arith.constant 80 : index
        %get3A_334 = tpu.vector_load %arg15[%get3A_333] {strides = array<i32>} : memref<216xf32, #tpu.memory_space<vmem>>, vector<16xf32>,
        %sub3A_335 = vector.broadcast %squeeze3A : f32 to vector<16xf32>
        %sub3A_336 = arith.subf %sub3A_335, %get3A_334 : vector<16xf32>
        %abs3A_337 = math.absf %sub3A_336 : vector<16xf32>
        %max3A_338 = arith.constant 1.000000e+00 : f32
        %max3A_339 = vector.broadcast %max3A_338 : f32 to vector<16xf32>
        %max3A_340 = arith.maximumf %abs3A_337, %max3A_339 : vector<16xf32>
        %bitcast_convert_type3A_341 = tpu.bitcast %max3A_340 : vector<16xf32> -> vector<16xi32>
        %shift_right_logical3A_342 = arith.constant 21 : i32
        %shift_right_logical3A_343 = vector.broadcast %shift_right_logical3A_342 : i32 to vector<16xi32>
        %shift_right_logical3A_344 = arith.shrui %bitcast_convert_type3A_341, %shift_right_logical3A_343 : vector<16xi32>
        %and3A_345 = arith.constant -4 : i32
        %and3A_346 = vector.broadcast %and3A_345 : i32 to vector<16xi32>
        %and3A_347 = arith.andi %shift_right_logical3A_344, %and3A_346 : vector<16xi32>
        %gather3A_348 = tpu.vector_load_idx %arg10[%and3A_347] : memref<640xi32, #tpu.memory_space<vmem>>[vector<16xi32>], vector<16xi32>,
        %gather3A_349 = tpu.vector_load_idx %arg11[%and3A_347] : memref<640xi32, #tpu.memory_space<vmem>>[vector<16xi32>], vector<16xi32>,
        %gather3A_350 = tpu.vector_load_idx %arg12[%and3A_347] : memref<640xi32, #tpu.memory_space<vmem>>[vector<16xi32>], vector<16xi32>,
        %ge3A_351 = arith.cmpi sge, %bitcast_convert_type3A_341, %gather3A_348 : vector<16xi32>
        %jit3A_352 = arith.constant 1 : i32
        %jit3A_353 = arith.constant 0 : i32
        %broadcast_in_dim3A_354 = vector.broadcast %jit3A_352 : i32 to vector<16xi32>
        %broadcast_in_dim3A_355 = vector.broadcast %jit3A_353 : i32 to vector<16xi32>
        %select_n3A_356 = arith.select %ge3A_351, %broadcast_in_dim3A_354, %broadcast_in_dim3A_355 : vector<16xi1>, vector<16xi32>
        %ge3A_357 = arith.cmpi sge, %bitcast_convert_type3A_341, %gather3A_349 : vector<16xi32>
        %jit3A_358 = arith.constant 1 : i32
        %jit3A_359 = arith.constant 0 : i32
        %broadcast_in_dim3A_360 = vector.broadcast %jit3A_358 : i32 to vector<16xi32>
        %broadcast_in_dim3A_361 = vector.broadcast %jit3A_359 : i32 to vector<16xi32>
        %select_n3A_362 = arith.select %ge3A_357, %broadcast_in_dim3A_360, %broadcast_in_dim3A_361 : vector<16xi1>, vector<16xi32>
        %add3A_363 = arith.addi %select_n3A_356, %select_n3A_362 : vector<16xi32>
        %ge3A_364 = arith.cmpi sge, %bitcast_convert_type3A_341, %gather3A_350 : vector<16xi32>
        %jit3A_365 = arith.constant 1 : i32
        %jit3A_366 = arith.constant 0 : i32
        %broadcast_in_dim3A_367 = vector.broadcast %jit3A_365 : i32 to vector<16xi32>
        %broadcast_in_dim3A_368 = vector.broadcast %jit3A_366 : i32 to vector<16xi32>
        %select_n3A_369 = arith.select %ge3A_364, %broadcast_in_dim3A_367, %broadcast_in_dim3A_368 : vector<16xi1>, vector<16xi32>
        %add3A_370 = arith.addi %add3A_363, %select_n3A_369 : vector<16xi32>
        %add3A_371 = arith.addi %and3A_347, %add3A_370 : vector<16xi32>
        %gather3A_372 = tpu.vector_load_idx %arg9[%add3A_371] : memref<640xf32, #tpu.memory_space<vmem>>[vector<16xi32>], vector<16xf32>,
        %sub3A_373 = arith.constant 199 : i32
        %sub3A_374 = arith.subi %sub3A_373, %scan3A_78 : i32
        %add3A_375 = arith.constant 80 : i32
        %add3A_376 = arith.addi %sub3A_374, %add3A_375 : i32
        %get3A_377 = arith.index_cast %add3A_376 : i32 to index
        %get3A_378 = tpu.vector_load %arg13[%get3A_377] {strides = array<i32>} : memref<408xf32, #tpu.memory_space<vmem>>, vector<16xf32>,
        %add3A_379 = arith.addf %gather3A_372, %get3A_378 : vector<16xf32>
        %swap3A_380 = arith.constant 0 : i32
        %swap3A_381 = tpu.memref_slice %arg16[%scan3A_78, %swap3A_380] : memref<200x200xf32, #tpu.memory_space<vmem>> -> memref<1x200xf32, #tpu.memory_space<vmem>>
        %swap3A_382 = tpu.memref_squeeze %swap3A_381 : memref<1x200xf32, #tpu.memory_space<vmem>> -> memref<200xf32, #tpu.memory_space<vmem>>
        %swap3A_383 = arith.constant 80 : index
        %swap3A_384 = tpu.vector_load %swap3A_382[%swap3A_383] {strides = array<i32>} : memref<200xf32, #tpu.memory_space<vmem>>, vector<16xf32>,
        tpu.vector_store %swap3A_382[%swap3A_383], %add3A_379 {strides = array<i32>} : memref<200xf32, #tpu.memory_space<vmem>>, vector<16xf32>,
        %get3A_385 = arith.constant 96 : index
        %get3A_386 = tpu.vector_load %arg15[%get3A_385] {strides = array<i32>} : memref<216xf32, #tpu.memory_space<vmem>>, vector<16xf32>,
        %sub3A_387 = vector.broadcast %squeeze3A : f32 to vector<16xf32>
        %sub3A_388 = arith.subf %sub3A_387, %get3A_386 : vector<16xf32>
        %abs3A_389 = math.absf %sub3A_388 : vector<16xf32>
        %max3A_390 = arith.constant 1.000000e+00 : f32
        %max3A_391 = vector.broadcast %max3A_390 : f32 to vector<16xf32>
        %max3A_392 = arith.maximumf %abs3A_389, %max3A_391 : vector<16xf32>
        %bitcast_convert_type3A_393 = tpu.bitcast %max3A_392 : vector<16xf32> -> vector<16xi32>
        %shift_right_logical3A_394 = arith.constant 21 : i32
        %shift_right_logical3A_395 = vector.broadcast %shift_right_logical3A_394 : i32 to vector<16xi32>
        %shift_right_logical3A_396 = arith.shrui %bitcast_convert_type3A_393, %shift_right_logical3A_395 : vector<16xi32>
        %and3A_397 = arith.constant -4 : i32
        %and3A_398 = vector.broadcast %and3A_397 : i32 to vector<16xi32>
        %and3A_399 = arith.andi %shift_right_logical3A_396, %and3A_398 : vector<16xi32>
        %gather3A_400 = tpu.vector_load_idx %arg10[%and3A_399] : memref<640xi32, #tpu.memory_space<vmem>>[vector<16xi32>], vector<16xi32>,
        %gather3A_401 = tpu.vector_load_idx %arg11[%and3A_399] : memref<640xi32, #tpu.memory_space<vmem>>[vector<16xi32>], vector<16xi32>,
        %gather3A_402 = tpu.vector_load_idx %arg12[%and3A_399] : memref<640xi32, #tpu.memory_space<vmem>>[vector<16xi32>], vector<16xi32>,
        %ge3A_403 = arith.cmpi sge, %bitcast_convert_type3A_393, %gather3A_400 : vector<16xi32>
        %jit3A_404 = arith.constant 1 : i32
        %jit3A_405 = arith.constant 0 : i32
        %broadcast_in_dim3A_406 = vector.broadcast %jit3A_404 : i32 to vector<16xi32>
        %broadcast_in_dim3A_407 = vector.broadcast %jit3A_405 : i32 to vector<16xi32>
        %select_n3A_408 = arith.select %ge3A_403, %broadcast_in_dim3A_406, %broadcast_in_dim3A_407 : vector<16xi1>, vector<16xi32>
        %ge3A_409 = arith.cmpi sge, %bitcast_convert_type3A_393, %gather3A_401 : vector<16xi32>
        %jit3A_410 = arith.constant 1 : i32
        %jit3A_411 = arith.constant 0 : i32
        %broadcast_in_dim3A_412 = vector.broadcast %jit3A_410 : i32 to vector<16xi32>
        %broadcast_in_dim3A_413 = vector.broadcast %jit3A_411 : i32 to vector<16xi32>
        %select_n3A_414 = arith.select %ge3A_409, %broadcast_in_dim3A_412, %broadcast_in_dim3A_413 : vector<16xi1>, vector<16xi32>
        %add3A_415 = arith.addi %select_n3A_408, %select_n3A_414 : vector<16xi32>
        %ge3A_416 = arith.cmpi sge, %bitcast_convert_type3A_393, %gather3A_402 : vector<16xi32>
        %jit3A_417 = arith.constant 1 : i32
        %jit3A_418 = arith.constant 0 : i32
        %broadcast_in_dim3A_419 = vector.broadcast %jit3A_417 : i32 to vector<16xi32>
        %broadcast_in_dim3A_420 = vector.broadcast %jit3A_418 : i32 to vector<16xi32>
        %select_n3A_421 = arith.select %ge3A_416, %broadcast_in_dim3A_419, %broadcast_in_dim3A_420 : vector<16xi1>, vector<16xi32>
        %add3A_422 = arith.addi %add3A_415, %select_n3A_421 : vector<16xi32>
        %add3A_423 = arith.addi %and3A_399, %add3A_422 : vector<16xi32>
        %gather3A_424 = tpu.vector_load_idx %arg9[%add3A_423] : memref<640xf32, #tpu.memory_space<vmem>>[vector<16xi32>], vector<16xf32>,
        %sub3A_425 = arith.constant 199 : i32
        %sub3A_426 = arith.subi %sub3A_425, %scan3A_78 : i32
        %add3A_427 = arith.constant 96 : i32
        %add3A_428 = arith.addi %sub3A_426, %add3A_427 : i32
        %get3A_429 = arith.index_cast %add3A_428 : i32 to index
        %get3A_430 = tpu.vector_load %arg13[%get3A_429] {strides = array<i32>} : memref<408xf32, #tpu.memory_space<vmem>>, vector<16xf32>,
        %add3A_431 = arith.addf %gather3A_424, %get3A_430 : vector<16xf32>
        %swap3A_432 = arith.constant 0 : i32
        %swap3A_433 = tpu.memref_slice %arg16[%scan3A_78, %swap3A_432] : memref<200x200xf32, #tpu.memory_space<vmem>> -> memref<1x200xf32, #tpu.memory_space<vmem>>
        %swap3A_434 = tpu.memref_squeeze %swap3A_433 : memref<1x200xf32, #tpu.memory_space<vmem>> -> memref<200xf32, #tpu.memory_space<vmem>>
        %swap3A_435 = arith.constant 96 : index
        %swap3A_436 = tpu.vector_load %swap3A_434[%swap3A_435] {strides = array<i32>} : memref<200xf32, #tpu.memory_space<vmem>>, vector<16xf32>,
        tpu.vector_store %swap3A_434[%swap3A_435], %add3A_431 {strides = array<i32>} : memref<200xf32, #tpu.memory_space<vmem>>, vector<16xf32>,
        %get3A_437 = arith.constant 112 : index
        %get3A_438 = tpu.vector_load %arg15[%get3A_437] {strides = array<i32>} : memref<216xf32, #tpu.memory_space<vmem>>, vector<16xf32>,
        %sub3A_439 = vector.broadcast %squeeze3A : f32 to vector<16xf32>
        %sub3A_440 = arith.subf %sub3A_439, %get3A_438 : vector<16xf32>
        %abs3A_441 = math.absf %sub3A_440 : vector<16xf32>
        %max3A_442 = arith.constant 1.000000e+00 : f32
        %max3A_443 = vector.broadcast %max3A_442 : f32 to vector<16xf32>
        %max3A_444 = arith.maximumf %abs3A_441, %max3A_443 : vector<16xf32>
        %bitcast_convert_type3A_445 = tpu.bitcast %max3A_444 : vector<16xf32> -> vector<16xi32>
        %shift_right_logical3A_446 = arith.constant 21 : i32
        %shift_right_logical3A_447 = vector.broadcast %shift_right_logical3A_446 : i32 to vector<16xi32>
        %shift_right_logical3A_448 = arith.shrui %bitcast_convert_type3A_445, %shift_right_logical3A_447 : vector<16xi32>
        %and3A_449 = arith.constant -4 : i32
        %and3A_450 = vector.broadcast %and3A_449 : i32 to vector<16xi32>
        %and3A_451 = arith.andi %shift_right_logical3A_448, %and3A_450 : vector<16xi32>
        %gather3A_452 = tpu.vector_load_idx %arg10[%and3A_451] : memref<640xi32, #tpu.memory_space<vmem>>[vector<16xi32>], vector<16xi32>,
        %gather3A_453 = tpu.vector_load_idx %arg11[%and3A_451] : memref<640xi32, #tpu.memory_space<vmem>>[vector<16xi32>], vector<16xi32>,
        %gather3A_454 = tpu.vector_load_idx %arg12[%and3A_451] : memref<640xi32, #tpu.memory_space<vmem>>[vector<16xi32>], vector<16xi32>,
        %ge3A_455 = arith.cmpi sge, %bitcast_convert_type3A_445, %gather3A_452 : vector<16xi32>
        %jit3A_456 = arith.constant 1 : i32
        %jit3A_457 = arith.constant 0 : i32
        %broadcast_in_dim3A_458 = vector.broadcast %jit3A_456 : i32 to vector<16xi32>
        %broadcast_in_dim3A_459 = vector.broadcast %jit3A_457 : i32 to vector<16xi32>
        %select_n3A_460 = arith.select %ge3A_455, %broadcast_in_dim3A_458, %broadcast_in_dim3A_459 : vector<16xi1>, vector<16xi32>
        %ge3A_461 = arith.cmpi sge, %bitcast_convert_type3A_445, %gather3A_453 : vector<16xi32>
        %jit3A_462 = arith.constant 1 : i32
        %jit3A_463 = arith.constant 0 : i32
        %broadcast_in_dim3A_464 = vector.broadcast %jit3A_462 : i32 to vector<16xi32>
        %broadcast_in_dim3A_465 = vector.broadcast %jit3A_463 : i32 to vector<16xi32>
        %select_n3A_466 = arith.select %ge3A_461, %broadcast_in_dim3A_464, %broadcast_in_dim3A_465 : vector<16xi1>, vector<16xi32>
        %add3A_467 = arith.addi %select_n3A_460, %select_n3A_466 : vector<16xi32>
        %ge3A_468 = arith.cmpi sge, %bitcast_convert_type3A_445, %gather3A_454 : vector<16xi32>
        %jit3A_469 = arith.constant 1 : i32
        %jit3A_470 = arith.constant 0 : i32
        %broadcast_in_dim3A_471 = vector.broadcast %jit3A_469 : i32 to vector<16xi32>
        %broadcast_in_dim3A_472 = vector.broadcast %jit3A_470 : i32 to vector<16xi32>
        %select_n3A_473 = arith.select %ge3A_468, %broadcast_in_dim3A_471, %broadcast_in_dim3A_472 : vector<16xi1>, vector<16xi32>
        %add3A_474 = arith.addi %add3A_467, %select_n3A_473 : vector<16xi32>
        %add3A_475 = arith.addi %and3A_451, %add3A_474 : vector<16xi32>
        %gather3A_476 = tpu.vector_load_idx %arg9[%add3A_475] : memref<640xf32, #tpu.memory_space<vmem>>[vector<16xi32>], vector<16xf32>,
        %sub3A_477 = arith.constant 199 : i32
        %sub3A_478 = arith.subi %sub3A_477, %scan3A_78 : i32
        %add3A_479 = arith.constant 112 : i32
        %add3A_480 = arith.addi %sub3A_478, %add3A_479 : i32
        %get3A_481 = arith.index_cast %add3A_480 : i32 to index
        %get3A_482 = tpu.vector_load %arg13[%get3A_481] {strides = array<i32>} : memref<408xf32, #tpu.memory_space<vmem>>, vector<16xf32>,
        %add3A_483 = arith.addf %gather3A_476, %get3A_482 : vector<16xf32>
        %swap3A_484 = arith.constant 0 : i32
        %swap3A_485 = tpu.memref_slice %arg16[%scan3A_78, %swap3A_484] : memref<200x200xf32, #tpu.memory_space<vmem>> -> memref<1x200xf32, #tpu.memory_space<vmem>>
        %swap3A_486 = tpu.memref_squeeze %swap3A_485 : memref<1x200xf32, #tpu.memory_space<vmem>> -> memref<200xf32, #tpu.memory_space<vmem>>
        %swap3A_487 = arith.constant 112 : index
        %swap3A_488 = tpu.vector_load %swap3A_486[%swap3A_487] {strides = array<i32>} : memref<200xf32, #tpu.memory_space<vmem>>, vector<16xf32>,
        tpu.vector_store %swap3A_486[%swap3A_487], %add3A_483 {strides = array<i32>} : memref<200xf32, #tpu.memory_space<vmem>>, vector<16xf32>,
        %get3A_489 = arith.constant 128 : index
        %get3A_490 = tpu.vector_load %arg15[%get3A_489] {strides = array<i32>} : memref<216xf32, #tpu.memory_space<vmem>>, vector<16xf32>,
        %sub3A_491 = vector.broadcast %squeeze3A : f32 to vector<16xf32>
        %sub3A_492 = arith.subf %sub3A_491, %get3A_490 : vector<16xf32>
        %abs3A_493 = math.absf %sub3A_492 : vector<16xf32>
        %max3A_494 = arith.constant 1.000000e+00 : f32
        %max3A_495 = vector.broadcast %max3A_494 : f32 to vector<16xf32>
        %max3A_496 = arith.maximumf %abs3A_493, %max3A_495 : vector<16xf32>
        %bitcast_convert_type3A_497 = tpu.bitcast %max3A_496 : vector<16xf32> -> vector<16xi32>
        %shift_right_logical3A_498 = arith.constant 21 : i32
        %shift_right_logical3A_499 = vector.broadcast %shift_right_logical3A_498 : i32 to vector<16xi32>
        %shift_right_logical3A_500 = arith.shrui %bitcast_convert_type3A_497, %shift_right_logical3A_499 : vector<16xi32>
        %and3A_501 = arith.constant -4 : i32
        %and3A_502 = vector.broadcast %and3A_501 : i32 to vector<16xi32>
        %and3A_503 = arith.andi %shift_right_logical3A_500, %and3A_502 : vector<16xi32>
        %gather3A_504 = tpu.vector_load_idx %arg10[%and3A_503] : memref<640xi32, #tpu.memory_space<vmem>>[vector<16xi32>], vector<16xi32>,
        %gather3A_505 = tpu.vector_load_idx %arg11[%and3A_503] : memref<640xi32, #tpu.memory_space<vmem>>[vector<16xi32>], vector<16xi32>,
        %gather3A_506 = tpu.vector_load_idx %arg12[%and3A_503] : memref<640xi32, #tpu.memory_space<vmem>>[vector<16xi32>], vector<16xi32>,
        %ge3A_507 = arith.cmpi sge, %bitcast_convert_type3A_497, %gather3A_504 : vector<16xi32>
        %jit3A_508 = arith.constant 1 : i32
        %jit3A_509 = arith.constant 0 : i32
        %broadcast_in_dim3A_510 = vector.broadcast %jit3A_508 : i32 to vector<16xi32>
        %broadcast_in_dim3A_511 = vector.broadcast %jit3A_509 : i32 to vector<16xi32>
        %select_n3A_512 = arith.select %ge3A_507, %broadcast_in_dim3A_510, %broadcast_in_dim3A_511 : vector<16xi1>, vector<16xi32>
        %ge3A_513 = arith.cmpi sge, %bitcast_convert_type3A_497, %gather3A_505 : vector<16xi32>
        %jit3A_514 = arith.constant 1 : i32
        %jit3A_515 = arith.constant 0 : i32
        %broadcast_in_dim3A_516 = vector.broadcast %jit3A_514 : i32 to vector<16xi32>
        %broadcast_in_dim3A_517 = vector.broadcast %jit3A_515 : i32 to vector<16xi32>
        %select_n3A_518 = arith.select %ge3A_513, %broadcast_in_dim3A_516, %broadcast_in_dim3A_517 : vector<16xi1>, vector<16xi32>
        %add3A_519 = arith.addi %select_n3A_512, %select_n3A_518 : vector<16xi32>
        %ge3A_520 = arith.cmpi sge, %bitcast_convert_type3A_497, %gather3A_506 : vector<16xi32>
        %jit3A_521 = arith.constant 1 : i32
        %jit3A_522 = arith.constant 0 : i32
        %broadcast_in_dim3A_523 = vector.broadcast %jit3A_521 : i32 to vector<16xi32>
        %broadcast_in_dim3A_524 = vector.broadcast %jit3A_522 : i32 to vector<16xi32>
        %select_n3A_525 = arith.select %ge3A_520, %broadcast_in_dim3A_523, %broadcast_in_dim3A_524 : vector<16xi1>, vector<16xi32>
        %add3A_526 = arith.addi %add3A_519, %select_n3A_525 : vector<16xi32>
        %add3A_527 = arith.addi %and3A_503, %add3A_526 : vector<16xi32>
        %gather3A_528 = tpu.vector_load_idx %arg9[%add3A_527] : memref<640xf32, #tpu.memory_space<vmem>>[vector<16xi32>], vector<16xf32>,
        %sub3A_529 = arith.constant 199 : i32
        %sub3A_530 = arith.subi %sub3A_529, %scan3A_78 : i32
        %add3A_531 = arith.constant 128 : i32
        %add3A_532 = arith.addi %sub3A_530, %add3A_531 : i32
        %get3A_533 = arith.index_cast %add3A_532 : i32 to index
        %get3A_534 = tpu.vector_load %arg13[%get3A_533] {strides = array<i32>} : memref<408xf32, #tpu.memory_space<vmem>>, vector<16xf32>,
        %add3A_535 = arith.addf %gather3A_528, %get3A_534 : vector<16xf32>
        %swap3A_536 = arith.constant 0 : i32
        %swap3A_537 = tpu.memref_slice %arg16[%scan3A_78, %swap3A_536] : memref<200x200xf32, #tpu.memory_space<vmem>> -> memref<1x200xf32, #tpu.memory_space<vmem>>
        %swap3A_538 = tpu.memref_squeeze %swap3A_537 : memref<1x200xf32, #tpu.memory_space<vmem>> -> memref<200xf32, #tpu.memory_space<vmem>>
        %swap3A_539 = arith.constant 128 : index
        %swap3A_540 = tpu.vector_load %swap3A_538[%swap3A_539] {strides = array<i32>} : memref<200xf32, #tpu.memory_space<vmem>>, vector<16xf32>,
        tpu.vector_store %swap3A_538[%swap3A_539], %add3A_535 {strides = array<i32>} : memref<200xf32, #tpu.memory_space<vmem>>, vector<16xf32>,
        %get3A_541 = arith.constant 144 : index
        %get3A_542 = tpu.vector_load %arg15[%get3A_541] {strides = array<i32>} : memref<216xf32, #tpu.memory_space<vmem>>, vector<16xf32>,
        %sub3A_543 = vector.broadcast %squeeze3A : f32 to vector<16xf32>
        %sub3A_544 = arith.subf %sub3A_543, %get3A_542 : vector<16xf32>
        %abs3A_545 = math.absf %sub3A_544 : vector<16xf32>
        %max3A_546 = arith.constant 1.000000e+00 : f32
        %max3A_547 = vector.broadcast %max3A_546 : f32 to vector<16xf32>
        %max3A_548 = arith.maximumf %abs3A_545, %max3A_547 : vector<16xf32>
        %bitcast_convert_type3A_549 = tpu.bitcast %max3A_548 : vector<16xf32> -> vector<16xi32>
        %shift_right_logical3A_550 = arith.constant 21 : i32
        %shift_right_logical3A_551 = vector.broadcast %shift_right_logical3A_550 : i32 to vector<16xi32>
        %shift_right_logical3A_552 = arith.shrui %bitcast_convert_type3A_549, %shift_right_logical3A_551 : vector<16xi32>
        %and3A_553 = arith.constant -4 : i32
        %and3A_554 = vector.broadcast %and3A_553 : i32 to vector<16xi32>
        %and3A_555 = arith.andi %shift_right_logical3A_552, %and3A_554 : vector<16xi32>
        %gather3A_556 = tpu.vector_load_idx %arg10[%and3A_555] : memref<640xi32, #tpu.memory_space<vmem>>[vector<16xi32>], vector<16xi32>,
        %gather3A_557 = tpu.vector_load_idx %arg11[%and3A_555] : memref<640xi32, #tpu.memory_space<vmem>>[vector<16xi32>], vector<16xi32>,
        %gather3A_558 = tpu.vector_load_idx %arg12[%and3A_555] : memref<640xi32, #tpu.memory_space<vmem>>[vector<16xi32>], vector<16xi32>,
        %ge3A_559 = arith.cmpi sge, %bitcast_convert_type3A_549, %gather3A_556 : vector<16xi32>
        %jit3A_560 = arith.constant 1 : i32
        %jit3A_561 = arith.constant 0 : i32
        %broadcast_in_dim3A_562 = vector.broadcast %jit3A_560 : i32 to vector<16xi32>
        %broadcast_in_dim3A_563 = vector.broadcast %jit3A_561 : i32 to vector<16xi32>
        %select_n3A_564 = arith.select %ge3A_559, %broadcast_in_dim3A_562, %broadcast_in_dim3A_563 : vector<16xi1>, vector<16xi32>
        %ge3A_565 = arith.cmpi sge, %bitcast_convert_type3A_549, %gather3A_557 : vector<16xi32>
        %jit3A_566 = arith.constant 1 : i32
        %jit3A_567 = arith.constant 0 : i32
        %broadcast_in_dim3A_568 = vector.broadcast %jit3A_566 : i32 to vector<16xi32>
        %broadcast_in_dim3A_569 = vector.broadcast %jit3A_567 : i32 to vector<16xi32>
        %select_n3A_570 = arith.select %ge3A_565, %broadcast_in_dim3A_568, %broadcast_in_dim3A_569 : vector<16xi1>, vector<16xi32>
        %add3A_571 = arith.addi %select_n3A_564, %select_n3A_570 : vector<16xi32>
        %ge3A_572 = arith.cmpi sge, %bitcast_convert_type3A_549, %gather3A_558 : vector<16xi32>
        %jit3A_573 = arith.constant 1 : i32
        %jit3A_574 = arith.constant 0 : i32
        %broadcast_in_dim3A_575 = vector.broadcast %jit3A_573 : i32 to vector<16xi32>
        %broadcast_in_dim3A_576 = vector.broadcast %jit3A_574 : i32 to vector<16xi32>
        %select_n3A_577 = arith.select %ge3A_572, %broadcast_in_dim3A_575, %broadcast_in_dim3A_576 : vector<16xi1>, vector<16xi32>
        %add3A_578 = arith.addi %add3A_571, %select_n3A_577 : vector<16xi32>
        %add3A_579 = arith.addi %and3A_555, %add3A_578 : vector<16xi32>
        %gather3A_580 = tpu.vector_load_idx %arg9[%add3A_579] : memref<640xf32, #tpu.memory_space<vmem>>[vector<16xi32>], vector<16xf32>,
        %sub3A_581 = arith.constant 199 : i32
        %sub3A_582 = arith.subi %sub3A_581, %scan3A_78 : i32
        %add3A_583 = arith.constant 144 : i32
        %add3A_584 = arith.addi %sub3A_582, %add3A_583 : i32
        %get3A_585 = arith.index_cast %add3A_584 : i32 to index
        %get3A_586 = tpu.vector_load %arg13[%get3A_585] {strides = array<i32>} : memref<408xf32, #tpu.memory_space<vmem>>, vector<16xf32>,
        %add3A_587 = arith.addf %gather3A_580, %get3A_586 : vector<16xf32>
        %swap3A_588 = arith.constant 0 : i32
        %swap3A_589 = tpu.memref_slice %arg16[%scan3A_78, %swap3A_588] : memref<200x200xf32, #tpu.memory_space<vmem>> -> memref<1x200xf32, #tpu.memory_space<vmem>>
        %swap3A_590 = tpu.memref_squeeze %swap3A_589 : memref<1x200xf32, #tpu.memory_space<vmem>> -> memref<200xf32, #tpu.memory_space<vmem>>
        %swap3A_591 = arith.constant 144 : index
        %swap3A_592 = tpu.vector_load %swap3A_590[%swap3A_591] {strides = array<i32>} : memref<200xf32, #tpu.memory_space<vmem>>, vector<16xf32>,
        tpu.vector_store %swap3A_590[%swap3A_591], %add3A_587 {strides = array<i32>} : memref<200xf32, #tpu.memory_space<vmem>>, vector<16xf32>,
        %get3A_593 = arith.constant 160 : index
        %get3A_594 = tpu.vector_load %arg15[%get3A_593] {strides = array<i32>} : memref<216xf32, #tpu.memory_space<vmem>>, vector<16xf32>,
        %sub3A_595 = vector.broadcast %squeeze3A : f32 to vector<16xf32>
        %sub3A_596 = arith.subf %sub3A_595, %get3A_594 : vector<16xf32>
        %abs3A_597 = math.absf %sub3A_596 : vector<16xf32>
        %max3A_598 = arith.constant 1.000000e+00 : f32
        %max3A_599 = vector.broadcast %max3A_598 : f32 to vector<16xf32>
        %max3A_600 = arith.maximumf %abs3A_597, %max3A_599 : vector<16xf32>
        %bitcast_convert_type3A_601 = tpu.bitcast %max3A_600 : vector<16xf32> -> vector<16xi32>
        %shift_right_logical3A_602 = arith.constant 21 : i32
        %shift_right_logical3A_603 = vector.broadcast %shift_right_logical3A_602 : i32 to vector<16xi32>
        %shift_right_logical3A_604 = arith.shrui %bitcast_convert_type3A_601, %shift_right_logical3A_603 : vector<16xi32>
        %and3A_605 = arith.constant -4 : i32
        %and3A_606 = vector.broadcast %and3A_605 : i32 to vector<16xi32>
        %and3A_607 = arith.andi %shift_right_logical3A_604, %and3A_606 : vector<16xi32>
        %gather3A_608 = tpu.vector_load_idx %arg10[%and3A_607] : memref<640xi32, #tpu.memory_space<vmem>>[vector<16xi32>], vector<16xi32>,
        %gather3A_609 = tpu.vector_load_idx %arg11[%and3A_607] : memref<640xi32, #tpu.memory_space<vmem>>[vector<16xi32>], vector<16xi32>,
        %gather3A_610 = tpu.vector_load_idx %arg12[%and3A_607] : memref<640xi32, #tpu.memory_space<vmem>>[vector<16xi32>], vector<16xi32>,
        %ge3A_611 = arith.cmpi sge, %bitcast_convert_type3A_601, %gather3A_608 : vector<16xi32>
        %jit3A_612 = arith.constant 1 : i32
        %jit3A_613 = arith.constant 0 : i32
        %broadcast_in_dim3A_614 = vector.broadcast %jit3A_612 : i32 to vector<16xi32>
        %broadcast_in_dim3A_615 = vector.broadcast %jit3A_613 : i32 to vector<16xi32>
        %select_n3A_616 = arith.select %ge3A_611, %broadcast_in_dim3A_614, %broadcast_in_dim3A_615 : vector<16xi1>, vector<16xi32>
        %ge3A_617 = arith.cmpi sge, %bitcast_convert_type3A_601, %gather3A_609 : vector<16xi32>
        %jit3A_618 = arith.constant 1 : i32
        %jit3A_619 = arith.constant 0 : i32
        %broadcast_in_dim3A_620 = vector.broadcast %jit3A_618 : i32 to vector<16xi32>
        %broadcast_in_dim3A_621 = vector.broadcast %jit3A_619 : i32 to vector<16xi32>
        %select_n3A_622 = arith.select %ge3A_617, %broadcast_in_dim3A_620, %broadcast_in_dim3A_621 : vector<16xi1>, vector<16xi32>
        %add3A_623 = arith.addi %select_n3A_616, %select_n3A_622 : vector<16xi32>
        %ge3A_624 = arith.cmpi sge, %bitcast_convert_type3A_601, %gather3A_610 : vector<16xi32>
        %jit3A_625 = arith.constant 1 : i32
        %jit3A_626 = arith.constant 0 : i32
        %broadcast_in_dim3A_627 = vector.broadcast %jit3A_625 : i32 to vector<16xi32>
        %broadcast_in_dim3A_628 = vector.broadcast %jit3A_626 : i32 to vector<16xi32>
        %select_n3A_629 = arith.select %ge3A_624, %broadcast_in_dim3A_627, %broadcast_in_dim3A_628 : vector<16xi1>, vector<16xi32>
        %add3A_630 = arith.addi %add3A_623, %select_n3A_629 : vector<16xi32>
        %add3A_631 = arith.addi %and3A_607, %add3A_630 : vector<16xi32>
        %gather3A_632 = tpu.vector_load_idx %arg9[%add3A_631] : memref<640xf32, #tpu.memory_space<vmem>>[vector<16xi32>], vector<16xf32>,
        %sub3A_633 = arith.constant 199 : i32
        %sub3A_634 = arith.subi %sub3A_633, %scan3A_78 : i32
        %add3A_635 = arith.constant 160 : i32
        %add3A_636 = arith.addi %sub3A_634, %add3A_635 : i32
        %get3A_637 = arith.index_cast %add3A_636 : i32 to index
        %get3A_638 = tpu.vector_load %arg13[%get3A_637] {strides = array<i32>} : memref<408xf32, #tpu.memory_space<vmem>>, vector<16xf32>,
        %add3A_639 = arith.addf %gather3A_632, %get3A_638 : vector<16xf32>
        %swap3A_640 = arith.constant 0 : i32
        %swap3A_641 = tpu.memref_slice %arg16[%scan3A_78, %swap3A_640] : memref<200x200xf32, #tpu.memory_space<vmem>> -> memref<1x200xf32, #tpu.memory_space<vmem>>
        %swap3A_642 = tpu.memref_squeeze %swap3A_641 : memref<1x200xf32, #tpu.memory_space<vmem>> -> memref<200xf32, #tpu.memory_space<vmem>>
        %swap3A_643 = arith.constant 160 : index
        %swap3A_644 = tpu.vector_load %swap3A_642[%swap3A_643] {strides = array<i32>} : memref<200xf32, #tpu.memory_space<vmem>>, vector<16xf32>,
        tpu.vector_store %swap3A_642[%swap3A_643], %add3A_639 {strides = array<i32>} : memref<200xf32, #tpu.memory_space<vmem>>, vector<16xf32>,
        %get3A_645 = arith.constant 176 : index
        %get3A_646 = tpu.vector_load %arg15[%get3A_645] {strides = array<i32>} : memref<216xf32, #tpu.memory_space<vmem>>, vector<16xf32>,
        %sub3A_647 = vector.broadcast %squeeze3A : f32 to vector<16xf32>
        %sub3A_648 = arith.subf %sub3A_647, %get3A_646 : vector<16xf32>
        %abs3A_649 = math.absf %sub3A_648 : vector<16xf32>
        %max3A_650 = arith.constant 1.000000e+00 : f32
        %max3A_651 = vector.broadcast %max3A_650 : f32 to vector<16xf32>
        %max3A_652 = arith.maximumf %abs3A_649, %max3A_651 : vector<16xf32>
        %bitcast_convert_type3A_653 = tpu.bitcast %max3A_652 : vector<16xf32> -> vector<16xi32>
        %shift_right_logical3A_654 = arith.constant 21 : i32
        %shift_right_logical3A_655 = vector.broadcast %shift_right_logical3A_654 : i32 to vector<16xi32>
        %shift_right_logical3A_656 = arith.shrui %bitcast_convert_type3A_653, %shift_right_logical3A_655 : vector<16xi32>
        %and3A_657 = arith.constant -4 : i32
        %and3A_658 = vector.broadcast %and3A_657 : i32 to vector<16xi32>
        %and3A_659 = arith.andi %shift_right_logical3A_656, %and3A_658 : vector<16xi32>
        %gather3A_660 = tpu.vector_load_idx %arg10[%and3A_659] : memref<640xi32, #tpu.memory_space<vmem>>[vector<16xi32>], vector<16xi32>,
        %gather3A_661 = tpu.vector_load_idx %arg11[%and3A_659] : memref<640xi32, #tpu.memory_space<vmem>>[vector<16xi32>], vector<16xi32>,
        %gather3A_662 = tpu.vector_load_idx %arg12[%and3A_659] : memref<640xi32, #tpu.memory_space<vmem>>[vector<16xi32>], vector<16xi32>,
        %ge3A_663 = arith.cmpi sge, %bitcast_convert_type3A_653, %gather3A_660 : vector<16xi32>
        %jit3A_664 = arith.constant 1 : i32
        %jit3A_665 = arith.constant 0 : i32
        %broadcast_in_dim3A_666 = vector.broadcast %jit3A_664 : i32 to vector<16xi32>
        %broadcast_in_dim3A_667 = vector.broadcast %jit3A_665 : i32 to vector<16xi32>
        %select_n3A_668 = arith.select %ge3A_663, %broadcast_in_dim3A_666, %broadcast_in_dim3A_667 : vector<16xi1>, vector<16xi32>
        %ge3A_669 = arith.cmpi sge, %bitcast_convert_type3A_653, %gather3A_661 : vector<16xi32>
        %jit3A_670 = arith.constant 1 : i32
        %jit3A_671 = arith.constant 0 : i32
        %broadcast_in_dim3A_672 = vector.broadcast %jit3A_670 : i32 to vector<16xi32>
        %broadcast_in_dim3A_673 = vector.broadcast %jit3A_671 : i32 to vector<16xi32>
        %select_n3A_674 = arith.select %ge3A_669, %broadcast_in_dim3A_672, %broadcast_in_dim3A_673 : vector<16xi1>, vector<16xi32>
        %add3A_675 = arith.addi %select_n3A_668, %select_n3A_674 : vector<16xi32>
        %ge3A_676 = arith.cmpi sge, %bitcast_convert_type3A_653, %gather3A_662 : vector<16xi32>
        %jit3A_677 = arith.constant 1 : i32
        %jit3A_678 = arith.constant 0 : i32
        %broadcast_in_dim3A_679 = vector.broadcast %jit3A_677 : i32 to vector<16xi32>
        %broadcast_in_dim3A_680 = vector.broadcast %jit3A_678 : i32 to vector<16xi32>
        %select_n3A_681 = arith.select %ge3A_676, %broadcast_in_dim3A_679, %broadcast_in_dim3A_680 : vector<16xi1>, vector<16xi32>
        %add3A_682 = arith.addi %add3A_675, %select_n3A_681 : vector<16xi32>
        %add3A_683 = arith.addi %and3A_659, %add3A_682 : vector<16xi32>
        %gather3A_684 = tpu.vector_load_idx %arg9[%add3A_683] : memref<640xf32, #tpu.memory_space<vmem>>[vector<16xi32>], vector<16xf32>,
        %sub3A_685 = arith.constant 199 : i32
        %sub3A_686 = arith.subi %sub3A_685, %scan3A_78 : i32
        %add3A_687 = arith.constant 176 : i32
        %add3A_688 = arith.addi %sub3A_686, %add3A_687 : i32
        %get3A_689 = arith.index_cast %add3A_688 : i32 to index
        %get3A_690 = tpu.vector_load %arg13[%get3A_689] {strides = array<i32>} : memref<408xf32, #tpu.memory_space<vmem>>, vector<16xf32>,
        %add3A_691 = arith.addf %gather3A_684, %get3A_690 : vector<16xf32>
        %swap3A_692 = arith.constant 0 : i32
        %swap3A_693 = tpu.memref_slice %arg16[%scan3A_78, %swap3A_692] : memref<200x200xf32, #tpu.memory_space<vmem>> -> memref<1x200xf32, #tpu.memory_space<vmem>>
        %swap3A_694 = tpu.memref_squeeze %swap3A_693 : memref<1x200xf32, #tpu.memory_space<vmem>> -> memref<200xf32, #tpu.memory_space<vmem>>
        %swap3A_695 = arith.constant 176 : index
        %swap3A_696 = tpu.vector_load %swap3A_694[%swap3A_695] {strides = array<i32>} : memref<200xf32, #tpu.memory_space<vmem>>, vector<16xf32>,
        tpu.vector_store %swap3A_694[%swap3A_695], %add3A_691 {strides = array<i32>} : memref<200xf32, #tpu.memory_space<vmem>>, vector<16xf32>,
        %get3A_697 = arith.constant 184 : index
        %get3A_698 = tpu.vector_load %arg15[%get3A_697] {strides = array<i32>} : memref<216xf32, #tpu.memory_space<vmem>>, vector<16xf32>,
        %sub3A_699 = vector.broadcast %squeeze3A : f32 to vector<16xf32>
        %sub3A_700 = arith.subf %sub3A_699, %get3A_698 : vector<16xf32>
        %abs3A_701 = math.absf %sub3A_700 : vector<16xf32>
        %max3A_702 = arith.constant 1.000000e+00 : f32
        %max3A_703 = vector.broadcast %max3A_702 : f32 to vector<16xf32>
        %max3A_704 = arith.maximumf %abs3A_701, %max3A_703 : vector<16xf32>
        %bitcast_convert_type3A_705 = tpu.bitcast %max3A_704 : vector<16xf32> -> vector<16xi32>
        %shift_right_logical3A_706 = arith.constant 21 : i32
        %shift_right_logical3A_707 = vector.broadcast %shift_right_logical3A_706 : i32 to vector<16xi32>
        %shift_right_logical3A_708 = arith.shrui %bitcast_convert_type3A_705, %shift_right_logical3A_707 : vector<16xi32>
        %and3A_709 = arith.constant -4 : i32
        %and3A_710 = vector.broadcast %and3A_709 : i32 to vector<16xi32>
        %and3A_711 = arith.andi %shift_right_logical3A_708, %and3A_710 : vector<16xi32>
        %gather3A_712 = tpu.vector_load_idx %arg10[%and3A_711] : memref<640xi32, #tpu.memory_space<vmem>>[vector<16xi32>], vector<16xi32>,
        %gather3A_713 = tpu.vector_load_idx %arg11[%and3A_711] : memref<640xi32, #tpu.memory_space<vmem>>[vector<16xi32>], vector<16xi32>,
        %gather3A_714 = tpu.vector_load_idx %arg12[%and3A_711] : memref<640xi32, #tpu.memory_space<vmem>>[vector<16xi32>], vector<16xi32>,
        %ge3A_715 = arith.cmpi sge, %bitcast_convert_type3A_705, %gather3A_712 : vector<16xi32>
        %jit3A_716 = arith.constant 1 : i32
        %jit3A_717 = arith.constant 0 : i32
        %broadcast_in_dim3A_718 = vector.broadcast %jit3A_716 : i32 to vector<16xi32>
        %broadcast_in_dim3A_719 = vector.broadcast %jit3A_717 : i32 to vector<16xi32>
        %select_n3A_720 = arith.select %ge3A_715, %broadcast_in_dim3A_718, %broadcast_in_dim3A_719 : vector<16xi1>, vector<16xi32>
        %ge3A_721 = arith.cmpi sge, %bitcast_convert_type3A_705, %gather3A_713 : vector<16xi32>
        %jit3A_722 = arith.constant 1 : i32
        %jit3A_723 = arith.constant 0 : i32
        %broadcast_in_dim3A_724 = vector.broadcast %jit3A_722 : i32 to vector<16xi32>
        %broadcast_in_dim3A_725 = vector.broadcast %jit3A_723 : i32 to vector<16xi32>
        %select_n3A_726 = arith.select %ge3A_721, %broadcast_in_dim3A_724, %broadcast_in_dim3A_725 : vector<16xi1>, vector<16xi32>
        %add3A_727 = arith.addi %select_n3A_720, %select_n3A_726 : vector<16xi32>
        %ge3A_728 = arith.cmpi sge, %bitcast_convert_type3A_705, %gather3A_714 : vector<16xi32>
        %jit3A_729 = arith.constant 1 : i32
        %jit3A_730 = arith.constant 0 : i32
        %broadcast_in_dim3A_731 = vector.broadcast %jit3A_729 : i32 to vector<16xi32>
        %broadcast_in_dim3A_732 = vector.broadcast %jit3A_730 : i32 to vector<16xi32>
        %select_n3A_733 = arith.select %ge3A_728, %broadcast_in_dim3A_731, %broadcast_in_dim3A_732 : vector<16xi1>, vector<16xi32>
        %add3A_734 = arith.addi %add3A_727, %select_n3A_733 : vector<16xi32>
        %add3A_735 = arith.addi %and3A_711, %add3A_734 : vector<16xi32>
        %gather3A_736 = tpu.vector_load_idx %arg9[%add3A_735] : memref<640xf32, #tpu.memory_space<vmem>>[vector<16xi32>], vector<16xf32>,
        %sub3A_737 = arith.constant 199 : i32
        %sub3A_738 = arith.subi %sub3A_737, %scan3A_78 : i32
        %add3A_739 = arith.constant 184 : i32
        %add3A_740 = arith.addi %sub3A_738, %add3A_739 : i32
        %get3A_741 = arith.index_cast %add3A_740 : i32 to index
        %get3A_742 = tpu.vector_load %arg13[%get3A_741] {strides = array<i32>} : memref<408xf32, #tpu.memory_space<vmem>>, vector<16xf32>,
        %add3A_743 = arith.addf %gather3A_736, %get3A_742 : vector<16xf32>
        %swap3A_744 = arith.constant 0 : i32
        %swap3A_745 = tpu.memref_slice %arg16[%scan3A_78, %swap3A_744] : memref<200x200xf32, #tpu.memory_space<vmem>> -> memref<1x200xf32, #tpu.memory_space<vmem>>
        %swap3A_746 = tpu.memref_squeeze %swap3A_745 : memref<1x200xf32, #tpu.memory_space<vmem>> -> memref<200xf32, #tpu.memory_space<vmem>>
        %swap3A_747 = arith.constant 184 : index
        %swap3A_748 = tpu.vector_load %swap3A_746[%swap3A_747] {strides = array<i32>} : memref<200xf32, #tpu.memory_space<vmem>>, vector<16xf32>,
        tpu.vector_store %swap3A_746[%swap3A_747], %add3A_743 {strides = array<i32>} : memref<200xf32, #tpu.memory_space<vmem>>, vector<16xf32>,
      }
      %scan3A_77 = arith.constant 200 : i32
      "tpu.region"() ({
        %run_scoped3A = tpu.sem_alloc : memref<!tpu.dma_semaphore, #tpu.memory_space<semaphore_mem>>
        %dma_start3A = arith.constant 0 : i32
        %dma_start3A_78 = arith.constant 0 : i32
        %dma_start3A_79 = tpu.memref_slice %arg8[%add3A_9, %dma_start3A, %dma_start3A_78] : memref<64x200x200xf32, #tpu.memory_space<hbm>> -> memref<1x200x200xf32, #tpu.memory_space<hbm>>
        %dma_start3A_80 = tpu.memref_squeeze %dma_start3A_79 : memref<1x200x200xf32, #tpu.memory_space<hbm>> -> memref<200x200xf32, #tpu.memory_space<hbm>>
        %dma_start3A_81 = arith.constant 0 : i32
        %dma_start3A_82 = arith.constant 0 : i32
        %dma_start3A_83 = tpu.memref_slice %arg8[%add3A_9, %dma_start3A_81, %dma_start3A_82] : memref<64x200x200xf32, #tpu.memory_space<hbm>> -> memref<1x200x200xf32, #tpu.memory_space<hbm>>
        %dma_start3A_84 = tpu.memref_squeeze %dma_start3A_83 : memref<1x200x200xf32, #tpu.memory_space<hbm>> -> memref<200x200xf32, #tpu.memory_space<hbm>>
        tpu.enqueue_dma source(%arg16 : memref<200x200xf32, #tpu.memory_space<vmem>>) target(%dma_start3A_84 : memref<200x200xf32, #tpu.memory_space<hbm>>) target_semaphore(%run_scoped3A : memref<!tpu.dma_semaphore, #tpu.memory_space<semaphore_mem>>)
        %dma_wait3A = arith.constant 0 : i32
        %dma_wait3A_85 = arith.constant 0 : i32
        %dma_wait3A_86 = tpu.memref_slice %arg8[%add3A_9, %dma_wait3A, %dma_wait3A_85] : memref<64x200x200xf32, #tpu.memory_space<hbm>> -> memref<1x200x200xf32, #tpu.memory_space<hbm>>
        %dma_wait3A_87 = tpu.memref_squeeze %dma_wait3A_86 : memref<1x200x200xf32, #tpu.memory_space<hbm>> -> memref<200x200xf32, #tpu.memory_space<hbm>>
        %dma_wait3A_88 = arith.constant 0 : i32
        %dma_wait3A_89 = arith.constant 0 : i32
        %dma_wait3A_90 = tpu.memref_slice %arg8[%add3A_9, %dma_wait3A_88, %dma_wait3A_89] : memref<64x200x200xf32, #tpu.memory_space<hbm>> -> memref<1x200x200xf32, #tpu.memory_space<hbm>>
        %dma_wait3A_91 = tpu.memref_squeeze %dma_wait3A_90 : memref<1x200x200xf32, #tpu.memory_space<hbm>> -> memref<200x200xf32, #tpu.memory_space<hbm>>
        tpu.wait_dma2 semaphore(%run_scoped3A : memref<!tpu.dma_semaphore, #tpu.memory_space<semaphore_mem>>) src(%arg16 : memref<200x200xf32, #tpu.memory_space<vmem>>) dst(%dma_wait3A_91 : memref<200x200xf32, #tpu.memory_space<hbm>>)
        tpu.yield
      }) : () -> ()
    }
    %scan3A_5 = arith.constant 2 : i32
    return
  }
}

module attributes {stable_mosaic.version = 14 : i64} {
  func.func @_tc_body(%arg0: i32, %arg1: memref<64x200xi32, #tpu.memory_space<vmem>>, %arg2: memref<1x128xf32, #tpu.memory_space<vmem>>, %arg3: memref<200x200xf32, #tpu.memory_space<vmem>>, %arg4: memref<64x200x200xf32, #tpu.memory_space<vmem>>) attributes {dimension_semantics = [#tpu.dimension_semantics<arbitrary>], iteration_bounds = array<i64: 15>, scalar_prefetch = 0 : i64, scratch_operands = 0 : i64, tpu.core_type = #tpu.core_type<tc>, window_params = [{transform_indices = @transform_0, window_bounds = array<i64: 64, 200>}, {pipeline_mode = #tpu.pipeline_mode<synchronous>, transform_indices = @transform_1, window_bounds = array<i64: 1, 128>}, {pipeline_mode = #tpu.pipeline_mode<synchronous>, transform_indices = @transform_2, window_bounds = array<i64: 200, 200>}, {transform_indices = @transform_3, window_bounds = array<i64: 64, 200, 200>}]} {
    %get3A = arith.constant 0 : index
    %get3A_0 = arith.constant 0 : index
    %get3A_1 = vector.load %arg1[%get3A, %get3A_0] : memref<64x200xi32, #tpu.memory_space<vmem>>, vector<64x200xi32>
    %convert_element_type3A = arith.sitofp %get3A_1 : vector<64x200xi32> to vector<64x200xf32>
    %slice3A = vector.extract_strided_slice %convert_element_type3A {offsets = [0, 1], sizes = [64, 199], strides = [1, 1]} : vector<64x200xf32> to vector<64x199xf32>
    %slice3A_2 = vector.extract_strided_slice %convert_element_type3A {offsets = [0, 199], sizes = [64, 1], strides = [1, 1]} : vector<64x200xf32> to vector<64x1xf32>
    %concatenate3A = tpu.concatenate %slice3A, %slice3A_2 in 1 : vector<64x199xf32>, vector<64x1xf32> -> vector<64x200xf32>
    %broadcast_in_dim3A = vector.shape_cast %concatenate3A : vector<64x200xf32> to vector<64x200x1xf32>
    %broadcast_in_dim3A_3 = vector.shape_cast %convert_element_type3A : vector<64x200xf32> to vector<64x1x200xf32>
    %sub3A = vector.broadcast %broadcast_in_dim3A : vector<64x200x1xf32> to vector<64x200x200xf32>
    %sub3A_4 = vector.broadcast %broadcast_in_dim3A_3 : vector<64x1x200xf32> to vector<64x200x200xf32>
    %sub3A_5 = arith.subf %sub3A, %sub3A_4 : vector<64x200x200xf32>
    %abs3A = math.absf %sub3A_5 : vector<64x200x200xf32>
    %max3A = arith.constant 1.000000e+00 : f32
    %max3A_6 = vector.broadcast %max3A : f32 to vector<64x200x200xf32>
    %max3A_7 = arith.maximumf %abs3A, %max3A_6 : vector<64x200x200xf32>
    %log3A = math.log %max3A_7 : vector<64x200x200xf32>
    %mul3A = arith.constant 3.32225919 : f32
    %mul3A_8 = vector.broadcast %mul3A : f32 to vector<64x200x200xf32>
    %mul3A_9 = arith.mulf %log3A, %mul3A_8 : vector<64x200x200xf32>
    %convert_element_type3A_10 = arith.fptosi %mul3A_9 : vector<64x200x200xf32> to vector<64x200x200xi32>
    %get3A_11 = arith.constant 0 : index
    %get3A_12 = arith.constant 0 : index
    %get3A_13 = vector.load %arg2[%get3A_11, %get3A_12] : memref<1x128xf32, #tpu.memory_space<vmem>>, vector<1x128xf32>
    %get3A_14 = vector.shape_cast %get3A_13 : vector<1x128xf32> to vector<128xf32>
    %broadcast_in_dim3A_15 = vector.shape_cast %get3A_14 : vector<128xf32> to vector<1x1x128xf32>
    %broadcast_in_dim3A_16 = vector.shape_cast %broadcast_in_dim3A_15 : vector<1x1x128xf32> to vector<1x1x128xf32>
    %broadcast_in_dim3A_17 = vector.broadcast %broadcast_in_dim3A_16 : vector<1x1x128xf32> to vector<64x200x128xf32>
    %reshape3A = vector.shape_cast %convert_element_type3A_10 : vector<64x200x200xi32> to vector<64x200x200x1xi32>
    %gather3A = vector.shape_cast %reshape3A : vector<64x200x200x1xi32> to vector<64x200x200xi32>
    %gather3A_18 = tpu.dynamic_gather %broadcast_in_dim3A_17[%gather3A] in [2] : vector<64x200x128xf32>, vector<64x200x200xi32> -> vector<64x200x200xf32>
    %get3A_19 = arith.constant 0 : index
    %get3A_20 = arith.constant 0 : index
    %get3A_21 = vector.load %arg3[%get3A_19, %get3A_20] : memref<200x200xf32, #tpu.memory_space<vmem>>, vector<200x200xf32>
    %broadcast_in_dim3A_22 = vector.shape_cast %get3A_21 : vector<200x200xf32> to vector<1x200x200xf32>
    %add3A = vector.broadcast %broadcast_in_dim3A_22 : vector<1x200x200xf32> to vector<64x200x200xf32>
    %add3A_23 = arith.addf %gather3A_18, %add3A : vector<64x200x200xf32>
    %swap3A = arith.constant 0 : index
    %swap3A_24 = arith.constant 0 : index
    %swap3A_25 = arith.constant 0 : index
    %swap3A_26 = vector.load %arg4[%swap3A, %swap3A_24, %swap3A_25] : memref<64x200x200xf32, #tpu.memory_space<vmem>>, vector<64x200x200xf32>
    tpu.vector_store %arg4[%swap3A, %swap3A_24, %swap3A_25], %add3A_23 {strides = array<i32>} : memref<64x200x200xf32, #tpu.memory_space<vmem>>, vector<64x200x200xf32>,
    return
  }
  func.func @transform_0(%arg0: i32) -> (i32, i32) {
    %add3A = arith.constant 1 : i32
    %add3A_0 = arith.addi %arg0, %add3A : i32
    %c0_i32 = arith.constant 0 : i32
    %c0_i32_1 = arith.constant 0 : i32
    return %add3A_0, %c0_i32 : i32, i32
  }
  func.func @transform_1(%arg0: i32) -> (i32, i32) {
    %c0_i32 = arith.constant 0 : i32
    %c0_i32_0 = arith.constant 0 : i32
    %c0_i32_1 = arith.constant 0 : i32
    return %c0_i32, %c0_i32_0 : i32, i32
  }
  func.func @transform_2(%arg0: i32) -> (i32, i32) {
    %c0_i32 = arith.constant 0 : i32
    %c0_i32_0 = arith.constant 0 : i32
    %c0_i32_1 = arith.constant 0 : i32
    return %c0_i32, %c0_i32_0 : i32, i32
  }
  func.func @transform_3(%arg0: i32) -> (i32, i32, i32) {
    %add3A = arith.constant 1 : i32
    %add3A_0 = arith.addi %arg0, %add3A : i32
    %c0_i32 = arith.constant 0 : i32
    %c0_i32_1 = arith.constant 0 : i32
    %c0_i32_2 = arith.constant 0 : i32
    return %add3A_0, %c0_i32, %c0_i32_1 : i32, i32, i32
  }
}

</mosaic_0001>

<sc_bundles>
// kernel: kernel.4.cloned.1.call-start
scs
__scs_entry_jumppad:
0x0: {  	(pc) =	sbr.rel $0x88, $3  }
0x1: {  	(tag) =	ssettag $0x0;
	lr =	simm.s32 $0x1  }
0x2: {  	[smem:$0x3F9E] =	sst lr;
	_ =	strace $0xD0000000  }
0x3: {  	_ = 	snop  }
0x4: {  	_ = 	snop  }
0x5: {  	_ = 	snop  }
0x6: {  	_ = 	snop  }
0x7: {  	_ = 	snop  }
__scs_overlays_trampoline_lowered:
0x8: {  	[smem:$0x3FAD] =	sst s0  }
0x9: {  	[smem:$0x3FAE] =	sst s1  }
0xa: {  	[smem:$0x3FAF] =	sst s2  }
0xb: {  	[smem:$0x3FB0] =	sst s3  }
0xc: {  	[smem:$0x3FB1] =	sst s4  }
0xd: {  	[smem:$0x3FB2] =	sst s5  }
0xe: {  	[smem:$0x3FB3] =	sst s6  }
0xf: {  	[smem:$0x3FB4] =	sst s7  }
0x10: {  	[smem:$0x3FB5] =	sst s8  }
0x11: {  	[smem:$0x3FB6] =	sst s9;
	s0 =	simm.s32 @!p0 $0x0  }
0x12: {  	s1 =	sld [smem:$0x3F9C];
	s0 =	simm.s32 @p0 $0x1  }
0x13: {  	[smem:$0x3FB7] =	sst s0;
	s0 =	simm.s32 @!p1 $0x0  }
0x14: {  	s2 =	sld [smem:$0x3F9B];
	s0 =	simm.s32 @p1 $0x1  }
0x15: {  	[smem:$0x3FB8] =	sst s0;
	s0 =	simm.s32 @!p2 $0x0  }
0x16: {  	s3 =	sld [smem:$0x3FDB];
	s0 =	simm.s32 @p2 $0x1  }
0x17: {  	s4 =	simm.s32 $0x1BF5;
	[smem:$0x3FBA] =	sst s0  }
0x18: {  	s0 =	sld [smem:$0x3F9D];
	_ =	swait.ge [sflag:s4], $0x0  }
0x19: {  	s7 =	sld [smem:$0x3F9E]  }
0x1a: {  	s8 =	sadd.s32 $0xFFFFE003, lr  }
0x1b: {  	s9 =	sadd.s32 $0xFFFFFEF7, lr;
	s5 =	simm.s32 $0xFFFFFFFF;
	p2 =	slt.u32 s8, $0xFFFFF086  }
0x1c: {  	p1 =	slt.u32 s9, $0xF7A;
	s5 =	simm.s32 @!p2 $0x0  }
0x1d: {  	s5 =	simm.s32 @p1 $0x1;
	p0 =	seq.s32 s7, s2  }
0x1e: {  	s7 =	smul.u32 @!p0 $0xF7A, s2;
	p2 =	seq.s32 @!p0 s5, $0x0  }
0x1f: {  	s9 =	smul.u32 $0xF7A, s1;
	s8 =	simm.s32 @!p0 $0x1BF5;
	p2 =	por !p2, p0  }
0x20: {  	[sflag:s8] =	ssyncset.s32 @!p0 $0xFFFFF086;
	s6 =	sadd.s32 @!p0 s3, s7;
	s7 =	simm.s32 @!p0 $0x108  }
0x21: {  	s3 =	sadd.s32 s3, s9;
	s6 =	sadd.s32 @!p0 $0x88, s6;
	s7 =	simm.s32 @p2 $0x1082  }
0x22: {  	[simem:s7], [sflag:s8] =	dma.local @!p0 [hbm:s6], $0xF7A  }
0x23: {  	s9 =	sor.u32 $0xD0000000, s2;
	s6 =	simm.s32 $0x108;
	_ =	swait.ge @!p0 [sflag:s8], $0x0  }
0x24: {  	s3 =	sadd.s32 $0x88, s3;
	s6 =	simm.s32 @!p1 $0x1082;
	[sflag:s4] =	ssyncset.s32 $0xFFFFF086  }
0x25: {  	[simem:s6], [sflag:s4] =	dma.local [hbm:s3], $0xF7A  }
0x26: {  	[smem:$0x3F9E] =	sst s1;
	(tag) =	ssettag s2;
	_ =	strace s9  }
0x27: {  	s1 =	sld [smem:$0x3FAE]  }
0x28: {  	s2 =	sld [smem:$0x3FAF]  }
0x29: {  	s4 =	sld [smem:$0x3FB1]  }
0x2a: {  	p0 =	seq.s32 s5, $0x0;
	s5 =	sld [smem:$0x3FB2]  }
0x2b: {  	s6 =	sld [smem:$0x3FB3]  }
0x2c: {  	s7 =	sld [smem:$0x3FB4]  }
0x2d: {  	s3 =	simm.s32 $0x108;
	s8 =	sld [smem:$0x3FB5]  }
0x2e: {  	s3 =	simm.s32 @!p0 $0x1082;
	s9 =	sld [smem:$0x3FB6]  }
0x2f: {  	lr =	sadd.s32 s0, s3;
	s0 =	sld [smem:$0x3FAD]  }
0x30: {  	s3 =	sld [smem:$0x3FB0]  }
0x31: {  	[smem:$0x3FB9] =	sst s10  }
0x32: {  	s10 =	sld [smem:$0x3FB7];
	_ =	sdelay $0x3  }
0x33: {  	p0 =	seq.s32 s10, $0x1;
	s10 =	sld [smem:$0x3FB9];
	_ =	sdelay $0x3  }
0x34: {  	[smem:$0x3FB9] =	sst s10  }
0x35: {  	s10 =	sld [smem:$0x3FB8];
	_ =	sdelay $0x3  }
0x36: {  	p1 =	seq.s32 s10, $0x1;
	s10 =	sld [smem:$0x3FB9];
	_ =	sdelay $0x3  }
0x37: {  	[smem:$0x3FB9] =	sst s10  }
0x38: {  	s10 =	sld [smem:$0x3FBA]  }
0x39: {  	_ = 	snop;
	(pc) =	sbr.ind lr, $3  }
0x3a: {  	_ = 	snop  }
0x3b: {  	_ = 	snop  }
0x3c: {  	p2 =	seq.s32 s10, $0x1;
	s10 =	sld [smem:$0x3FB9]  }
0x3d: {  	_ =	shalt  }
0x3e: {  	_ =	shalt  }
0x3f: {  	_ =	shalt  }
0x40: {  	_ =	shalt  }
0x41: {  	_ =	shalt  }
0x42: {  	_ =	shalt  }
0x43: {  	_ =	shalt  }
0x44: {  	_ =	shalt  }
0x45: {  	_ =	shalt  }
0x46: {  	_ =	shalt  }
0x47: {  	_ =	shalt  }
0x48: {  	_ =	shalt  }
0x49: {  	_ =	shalt  }
0x4a: {  	_ =	shalt  }
0x4b: {  	_ =	shalt  }
0x4c: {  	_ =	shalt  }
0x4d: {  	_ =	shalt  }
0x4e: {  	_ =	shalt  }
0x4f: {  	_ =	shalt  }
0x50: {  	_ =	shalt  }
0x51: {  	_ =	shalt  }
0x52: {  	_ =	shalt  }
0x53: {  	_ =	shalt  }
0x54: {  	_ =	shalt  }
0x55: {  	_ =	shalt  }
0x56: {  	_ =	shalt  }
0x57: {  	_ =	shalt  }
0x58: {  	_ =	shalt  }
0x59: {  	_ =	shalt  }
0x5a: {  	_ =	shalt  }
0x5b: {  	_ =	shalt  }
0x5c: {  	_ =	shalt  }
0x5d: {  	_ =	shalt  }
0x5e: {  	_ =	shalt  }
0x5f: {  	_ =	shalt  }
0x60: {  	_ =	shalt  }
0x61: {  	_ =	shalt  }
0x62: {  	_ =	shalt  }
0x63: {  	_ =	shalt  }
0x64: {  	_ =	shalt  }
0x65: {  	_ =	shalt  }
0x66: {  	_ =	shalt  }
0x67: {  	_ =	shalt  }
0x68: {  	_ =	shalt  }
0x69: {  	_ =	shalt  }
0x6a: {  	_ =	shalt  }
0x6b: {  	_ =	shalt  }
0x6c: {  	_ =	shalt  }
0x6d: {  	_ =	shalt  }
0x6e: {  	_ =	shalt  }
0x6f: {  	_ =	shalt  }
0x70: {  	_ =	shalt  }
0x71: {  	_ =	shalt  }
0x72: {  	_ =	shalt  }
0x73: {  	_ =	shalt  }
0x74: {  	_ =	shalt  }
0x75: {  	_ =	shalt  }
0x76: {  	_ =	shalt  }
0x77: {  	_ =	shalt  }
0x78: {  	_ =	shalt  }
0x79: {  	_ =	shalt  }
0x7a: {  	_ =	shalt  }
0x7b: {  	_ =	shalt  }
0x7c: {  	_ =	shalt  }
0x7d: {  	_ =	shalt  }
0x7e: {  	_ =	shalt  }
0x7f: {  	_ =	shalt  }
0x80: {  	_ =	shalt  }
0x81: {  	_ =	shalt  }
0x82: {  	_ =	shalt  }
0x83: {  	_ =	shalt  }
0x84: {  	_ =	shalt  }
0x85: {  	_ =	shalt  }
0x86: {  	_ =	shalt  }
0x87: {  	_ =	shalt  }
.Lfunc_end0:
.L_simem_size_0:
called_computation.1_lowered:
.L_overlay_start_0:
0x88: {  	s2 =	sld [smem:$0x3FD9]  }
0x89: {  	s3 =	sld [smem:$0x3FFE];
	_ =	sdelay $0x1  }
0x8a: {  	s1 =	srdreg.scid  }
0x8b: {  	s0 =	sand.u32 $0x1, s1  }
0x8c: {  	s17 =	sshll.u32 s0, $0xA;
	s2 =	sadd.s32 s3, s2  }
0x8d: {  	s2 =	sadd.s32 s2, s17  }
0x8e: {  	[smem:$0x3FC5] =	sst s2  }
0x8f: {  	_ = 	snop  }
0x90: {  	s2 =	sld [smem:$0x3FD0];
	(tm) =	ssettm $0x1  }
0x91: {  	s18 =	sld [smem:$0x3FFB];
	_ =	sdelay $0x3  }
0x92: {  	_ =	strace s18  }
0x93: {  	s3 =	sld [smem:$0x3FFC];
	_ =	sdelay $0x3  }
0x94: {  	_ =	strace s3  }
0x95: {  	s3 =	sld [smem:$0x3FFD];
	_ =	sdelay $0x3  }
0x96: {  	_ =	strace s3  }
0x97: {  	_ =	strace $0x8FFFFFFF  }
0x98: {  	s19 =	sld [smem:$0x3FDB];
	_ =	sdelay $0x1  }
0x99: {  	s4 =	simm.s32 $_scs_section_size  }
0x9a: {  	s5 =	simm.s32 $_size__tile_overlayer_lowered;
	s6 =	simm.s32 $_tile_overlayer_lowered  }
0x9b: {  	s22 =	simm.s32 $0x1BFF;
	s21 =	sshll.u32 s6, $0x1;
	s3 =	sadd.s32 s4, s19  }
0x9c: {  	s7 =	simm.s32 $0x0;
	s20 =	sshll.u32 s5, $0x1;
	s5 =	sadd.s32 s21, s3  }
0x9d: {  	[timem:s7], [sflag:s22] =	dma.local [hbm:s5], s20  }
0x9e: {  	_ =	swait.ge [sflag:s22], s20  }
0x9f: {  	s4 =	ssub.s32 $0x0, s20;
	[sflag:s22] =	ssyncset.done $0x0  }
0xa0: {  	[sflag:s22] =	ssyncadd.s32 s4;
	_ =	sdelay $0x1  }
0xa1: {  	s23 =	simm.s32 $0x1B8B  }
0xa2: {  	_ =	swait.ge [sflag:s23], $0x1  }
0xa3: {  	[sflag:s23] =	ssyncset.done $0x0  }
0xa4: {  	s25 =	simm.s32 $0x1B8E;
	s24 =	sld [smem:$0x3FFE];
	[sflag:s23] =	ssyncadd.s32 $0xFFFFFFFF  }
0xa5: {  	s26 =	simm.s32 $execute0_lowered;
	[smem:$0x3FD2] =	sst s25  }
0xa6: {  	s5 =	sshll.u32 s26, $0x1;
	_ =	strace $0x80000046;
	[dreg:$0x1] =	wrdreg $0xFFFFFFFF  }
0xa7: {  	s28 =	simm.s32 $_size_execute0_lowered;
	s3 =	sadd.s32 s3, s5;
	[dreg:$0x0] =	wrdreg $0x0  }
0xa8: {  	s5 =	sshll.u32 s28, $0x1;
	[dreg:$0x2] =	wrdreg s3  }
0xa9: {  	[dreg:$0x3] =	wrdreg s5  }
0xaa: {  	[dreg:$0x4] =	wrdreg $0xC0  }
0xab: {  	_ =	task [dreg:s7], $0x5FFFF  }
0xac: {  	[dreg:$0x1] =	wrdreg $0xFFFFFFFF  }
0xad: {  	[dreg:$0x0] =	wrdreg $0x60  }
0xae: {  	[dreg:$0x2] =	wrdreg s24  }
0xaf: {  	[dreg:$0x3] =	wrdreg s2  }
0xb0: {  	[dreg:$0x4] =	wrdreg $0x9  }
0xb1: {  	_ =	task.clear_ibuf [dreg:s7], $0x5FFFF;
	_ =	strace $0x90000046  }
0xb2: {  	s29 =	simm.s32 $0x9;
	_ =	strace $0x80000048  }
0xb3: {  	_ =	swait.ge [sflag:s29], $0x1  }
0xb4: {  	[sflag:s29] =	ssyncadd.s32 $0xFFFFFFFF  }
0xb5: {  	_ =	strace $0x90000048  }
0xb6: {  	_ =	sfence  }
0xb7: {  	s30 =	sld [smem:$0x0];
	_ =	sdelay $0x2  }
0xb8: {  	s31 =	sshll.u32 s1, $0xD;
	s1 =	sshrl.u32 s1, $0x2  }
0xb9: {  	s3 =	sand.u32 $0x4000, s31;
	s1 =	sadd.s32 s1, s30  }
0xba: {  	s0 =	sor.u32 s3, s0;
	s1 =	sshll.u32 s1, $0x11  }
0xbb: {  	s0 =	sor.u32 s1, s0  }
0xbc: {  	s0 =	sadd.s32 $0x8F2B, s0  }
0xbd: {  	[sflag:s0] =	ssyncadd.remote.s32 $0x1  }
0xbe: {  	_ =	sfence.sel $0xFFFF  }
0xbf: {  	[dreg:$0x0] =	wrdreg $0xFFFFFFFF;
	(pc) =	sbr.abs _section_cstart, $3  }
0xc0: {  	[dreg:$0x1] =	wrdreg $0xFFFFFFFF  }
0xc1: {  	_ =	task.clear_ibuf [dreg:s7], $0x2FFFF;
	_ =	strace $0x9FFFFFFF  }
0xc2: {  	(tm) =	ssettm $0x7FFFFFFF  }
0xc3: {  	_ =	shalt  }
tec
execute0_lowered:
.L_overlay_start_1:
0x0: {  	(tag) =	ssettag $0x1  }
0x1: {  	s9 =	rddreg [dreg:$0x0]  }
0x2: {  	s1 =	rddreg [dreg:$0x1]  }
0x3: {  	s0 =	rddreg [dreg:$0x2]  }
0x4: {  	s2 =	simm.s32 $0x0;
	s5 =	srdreg.scid;
	s14 =	simm.s32 $0x500  }
0x5: {  	s15 =	simm.s32 $0x780;
	s16 =	simm.s32 $0xA00;
	s17 =	simm.s32 $0xB98  }
0x6: {  	s18 =	simm.s32 $0xD38;
	s19 =	simm.s32 $0x0;
	[smem:$0x7FF] =	sst s2  }
0x7: {  	s3 =	sadd.s32 $0x800, s9;
	s4 =	sadd.s32 $0x1200, s9;
	s6 =	sadd.s32 $0x1800, s9  }
0x8: {  	s7 =	sadd.s32 $0x1600, s9;
	s10 =	sand.u32 $0x1, s5;
	s8 =	sadd.s32 $0x1400, s9  }
0x9: {  	s5 =	stileid.u32;
	s9 =	sadd.s32 $0x1000, s9;
	s11 =	ssub.s32 $0x2, s10  }
0xa: {  	s13 =	sshll.u32 s5, $0x2;
	s10 =	sshll.u32 s10, $0x1;
	s12 =	sshrl.u32 s11, $0x1  }
0xb: {  	_ =	strace $0x80000047;
	s10 =	sor.u32 s10, s13;
	s11 =	ssub.s32 s11, s12  }
0xc: {  	v0 =	vimm.s32 $0x0;
	s13 =	simm.s32 $0x280;
	s12 =	simm.s32 $0x1;
	s11 =	smax.u32 s11, $0x1  }
.LBB2_1:
0xd: {  	[tilespmem:s2], [sflag:$0x1] =	stream.linear.gather [hbm4b:s4+s2], $0x280, $0x38;
	[tilespmem:$0xA978] =	vst v63  }
0xe: {  	_ =	swait.ge [sflag:s12], $0x280  }
0xf: {  	[sflag:s12] =	ssyncset.done $0x0  }
0x10: {  	[sflag:s12] =	ssyncadd.s32 $0xFFFFFD80  }
0x11: {  	[tilespmem:s13], [sflag:$0x1] =	stream.linear.gather [hbm4b:s6+s2], $0x280, $0x38;
	[tilespmem:$0xA978] =	vst v63  }
0x12: {  	_ =	swait.ge [sflag:s12], $0x280  }
0x13: {  	[sflag:s12] =	ssyncset.done $0x0  }
0x14: {  	[sflag:s12] =	ssyncadd.s32 $0xFFFFFD80  }
0x15: {  	[tilespmem:s14], [sflag:$0x1] =	stream.linear.gather [hbm4b:s7+s2], $0x280, $0x38;
	[tilespmem:$0xA978] =	vst v63  }
0x16: {  	_ =	swait.ge [sflag:s12], $0x280  }
0x17: {  	[sflag:s12] =	ssyncset.done $0x0  }
0x18: {  	[sflag:s12] =	ssyncadd.s32 $0xFFFFFD80  }
0x19: {  	[tilespmem:s15], [sflag:$0x1] =	stream.linear.gather [hbm4b:s8+s2], $0x280, $0x38;
	[tilespmem:$0xA978] =	vst v63  }
0x1a: {  	_ =	swait.ge [sflag:s12], $0x280  }
0x1b: {  	[sflag:s12] =	ssyncset.done $0x0  }
0x1c: {  	[sflag:s12] =	ssyncadd.s32 $0xFFFFFD80  }
0x1d: {  	[tilespmem:s16], [sflag:$0x1] =	stream.linear.gather [hbm4b:s9+s2], $0x198, $0x38;
	[tilespmem:$0xA978] =	vst v63  }
0x1e: {  	_ =	swait.ge [sflag:s12], $0x198  }
0x1f: {  	[sflag:s12] =	ssyncset.done $0x0  }
0x20: {  	p1 =	por $0x1, $0x1;
	s20 =	simm.s32 $0x0;
	[sflag:s12] =	ssyncadd.s32 $0xFFFFFE68  }
.LBB2_2:
0x21: {  	s20 =	sor.u32 s10, s20  }
0x22: {  	s21 =	smul.u32 $0x19, s20;
	_ =	sdelay $0x1  }
0x23: {  	s21 =	sadd.s32 s3, s21  }
0x24: {  	[tilespmem:s17], [sflag:$0x1] =	stream.linear.gather [hbm4b:s21+s2], $0xC8, $0x38;
	[tilespmem:$0xA978] =	vst v63  }
0x25: {  	s21 =	simm.s32 $0x1  }
0x26: {  	_ =	swait.ge [sflag:s21], $0xC8  }
0x27: {  	[sflag:s21] =	ssyncset.done $0x0  }
0x28: {  	[sflag:s21] =	ssyncadd.s32 $0xFFFFFF38  }
0x29: {  	v1 =	vld [tilespmem:$0xB98]  }
0x2a: {  	v2 =	vld [tilespmem:$0xBA8]  }
0x2b: {  	v3 =	vld [tilespmem:$0xBB8]  }
0x2c: {  	v4 =	vld [tilespmem:$0xBC8]  }
0x2d: {  	v5 =	vld [tilespmem:$0xBD8]  }
0x2e: {  	v6 =	vld [tilespmem:$0xBE8];
	v1 =	vcvt.s32.f32 v1  }
0x2f: {  	v7 =	vld [tilespmem:$0xBF8];
	v2 =	vcvt.s32.f32 v2  }
0x30: {  	[tilespmem:$0xC60] =	vst v1;
	v1 =	vcvt.s32.f32 v3;
	v3 =	vld [tilespmem:$0xC08]  }
0x31: {  	v60 =	vld [tilespmem:$0xC18];
	[tilespmem:$0xC70] =	vst v2;
	v2 =	vcvt.s32.f32 v4  }
0x32: {  	v61 =	vld [tilespmem:$0xC28];
	[tilespmem:$0xC80] =	vst v1;
	v1 =	vcvt.s32.f32 v5  }
0x33: {  	v62 =	vld [tilespmem:$0xC38];
	[tilespmem:$0xC90] =	vst v2;
	v2 =	vcvt.s32.f32 v6  }
0x34: {  	v63 =	vld [tilespmem:$0xC48];
	[tilespmem:$0xCA0] =	vst v1;
	v1 =	vcvt.s32.f32 v7  }
0x35: {  	[tilespmem:$0xCB0] =	vst v2;
	v2 =	vcvt.s32.f32 v3;
	v3 =	vld [tilespmem:$0xC50]  }
0x36: {  	[tilespmem:$0xCC0] =	vst v1;
	v1 =	vcvt.s32.f32 v60  }
0x37: {  	[tilespmem:$0xCD0] =	vst v2;
	v2 =	vcvt.s32.f32 v61  }
0x38: {  	[tilespmem:$0xCE0] =	vst v1;
	v1 =	vcvt.s32.f32 v62  }
0x39: {  	[tilespmem:$0xCF0] =	vst v2;
	v2 =	vcvt.s32.f32 v63  }
0x3a: {  	[tilespmem:$0xD00] =	vst v1;
	v1 =	vcvt.s32.f32 v3  }
0x3b: {  	[tilespmem:$0xD10] =	vst v2  }
0x3c: {  	p0 =	por p1, p1;
	s22 =	simm.s32 $0xB7F;
	s23 =	simm.s32 $0xD98;
	[tilespmem:$0xD18] =	vst v1  }
.LBB2_3:
0x3d: {  	s24 =	smin.u32 s21, $0xC7;
	v2 =	vld [tilespmem:$0xC60]  }
0x3e: {  	v1 =	vld.msk [tilespmem:s24+$0xC60 ss:$0x0], $0xffff;
	_ =	sdelay $0x4  }
0x3f: {  	v2 =	vsub.f32 v1, v2;
	_ =	sdelay $0x1  }
0x40: {  	v2 =	vand.u32 $0x7FFFFFFF, v2  }
0x41: {  	v2 =	vmax.f32 v2, $1.000000000e+00  }
0x42: {  	v3 =	vshrl.u32 v2, $0x15  }
0x43: {  	v3 =	vand.u32 $0x3FC, v3;
	_ =	sdelay $0x4  }
0x44: {  	v4 =	vld.idx.msk [tilespmem:v3+s13+$0x0], $0xffff  }
0x45: {  	v5 =	vld.idx.msk [tilespmem:v3+s14+$0x0], $0xffff  }
0x46: {  	v6 =	vld.idx.msk [tilespmem:v3+s15+$0x0], $0xffff;
	_ =	sdelay $0x3  }
0x47: {  	vm0 =	vle.s32 v4, v2;
	vm1 =	vle.s32 v5, v2  }
0x48: {  	vm15 =	vle.s32 v6, v2;
	v4 =	vsel vm0, $0x1, v0;
	v5 =	vsel vm1, $0x1, v0  }
0x49: {  	v17 =	vsel vm15, $0x1, v0;
	v2 =	vadd.s32 v5, v4  }
0x4a: {  	v2 =	vadd.s32 v17, v2  }
0x4b: {  	v2 =	vadd.s32 v3, v2;
	_ =	sdelay $0x3  }
0x4c: {  	v3 =	vld [tilespmem:s22+$0xFFFFFF48]  }
0x4d: {  	v2 =	vld.idx.msk [tilespmem:v2+s2+$0x0], $0xffff;
	_ =	sdelay $0x4  }
0x4e: {  	v2 =	vadd.f32 v3, v2;
	_ =	sdelay $0x1  }
0x4f: {  	[tilespmem:s23+$0xFFFFFFA0] =	vst v2  }
0x50: {  	v2 =	vld [tilespmem:$0xC70];
	_ =	sdelay $0x4  }
0x51: {  	v2 =	vsub.f32 v1, v2;
	_ =	sdelay $0x1  }
0x52: {  	v2 =	vand.u32 $0x7FFFFFFF, v2  }
0x53: {  	v2 =	vmax.f32 v2, $1.000000000e+00  }
0x54: {  	v3 =	vshrl.u32 v2, $0x15  }
0x55: {  	v3 =	vand.u32 $0x3FC, v3;
	_ =	sdelay $0x4  }
0x56: {  	v18 =	vld.idx.msk [tilespmem:v3+s13+$0x0], $0xffff  }
0x57: {  	v19 =	vld.idx.msk [tilespmem:v3+s14+$0x0], $0xffff  }
0x58: {  	v20 =	vld.idx.msk [tilespmem:v3+s15+$0x0], $0xffff;
	_ =	sdelay $0x3  }
0x59: {  	vm4 =	vle.s32 v18, v2;
	vm5 =	vle.s32 v19, v2  }
0x5a: {  	vm6 =	vle.s32 v20, v2;
	v4 =	vsel vm4, $0x1, v0;
	v5 =	vsel vm5, $0x1, v0  }
0x5b: {  	v21 =	vsel vm6, $0x1, v0;
	v2 =	vadd.s32 v5, v4  }
0x5c: {  	v2 =	vadd.s32 v21, v2  }
0x5d: {  	v2 =	vadd.s32 v3, v2;
	_ =	sdelay $0x3  }
0x5e: {  	v3 =	vld [tilespmem:s22+$0xFFFFFF58]  }
0x5f: {  	v2 =	vld.idx.msk [tilespmem:v2+s2+$0x0], $0xffff;
	_ =	sdelay $0x4  }
0x60: {  	v2 =	vadd.f32 v3, v2;
	_ =	sdelay $0x1  }
0x61: {  	[tilespmem:s23+$0xFFFFFFB0] =	vst v2  }
0x62: {  	v2 =	vld [tilespmem:$0xC80];
	_ =	sdelay $0x4  }
0x63: {  	v2 =	vsub.f32 v1, v2;
	_ =	sdelay $0x1  }
0x64: {  	v2 =	vand.u32 $0x7FFFFFFF, v2  }
0x65: {  	v2 =	vmax.f32 v2, $1.000000000e+00  }
0x66: {  	v3 =	vshrl.u32 v2, $0x15  }
0x67: {  	v3 =	vand.u32 $0x3FC, v3;
	_ =	sdelay $0x4  }
0x68: {  	v22 =	vld.idx.msk [tilespmem:v3+s13+$0x0], $0xffff  }
0x69: {  	v23 =	vld.idx.msk [tilespmem:v3+s14+$0x0], $0xffff  }
0x6a: {  	v24 =	vld.idx.msk [tilespmem:v3+s15+$0x0], $0xffff;
	_ =	sdelay $0x3  }
0x6b: {  	vm7 =	vle.s32 v22, v2;
	vm8 =	vle.s32 v23, v2  }
0x6c: {  	vm9 =	vle.s32 v24, v2;
	v4 =	vsel vm7, $0x1, v0;
	v5 =	vsel vm8, $0x1, v0  }
0x6d: {  	v25 =	vsel vm9, $0x1, v0;
	v2 =	vadd.s32 v5, v4  }
0x6e: {  	v2 =	vadd.s32 v25, v2  }
0x6f: {  	v2 =	vadd.s32 v3, v2;
	_ =	sdelay $0x3  }
0x70: {  	v3 =	vld [tilespmem:s22+$0xFFFFFF68]  }
0x71: {  	v2 =	vld.idx.msk [tilespmem:v2+s2+$0x0], $0xffff;
	_ =	sdelay $0x4  }
0x72: {  	v2 =	vadd.f32 v3, v2;
	_ =	sdelay $0x1  }
0x73: {  	[tilespmem:s23+$0xFFFFFFC0] =	vst v2  }
0x74: {  	v2 =	vld [tilespmem:$0xC90];
	_ =	sdelay $0x4  }
0x75: {  	v2 =	vsub.f32 v1, v2;
	_ =	sdelay $0x1  }
0x76: {  	v2 =	vand.u32 $0x7FFFFFFF, v2  }
0x77: {  	v2 =	vmax.f32 v2, $1.000000000e+00  }
0x78: {  	v3 =	vshrl.u32 v2, $0x15  }
0x79: {  	v3 =	vand.u32 $0x3FC, v3;
	_ =	sdelay $0x4  }
0x7a: {  	v26 =	vld.idx.msk [tilespmem:v3+s13+$0x0], $0xffff  }
0x7b: {  	v27 =	vld.idx.msk [tilespmem:v3+s14+$0x0], $0xffff  }
0x7c: {  	v28 =	vld.idx.msk [tilespmem:v3+s15+$0x0], $0xffff;
	_ =	sdelay $0x3  }
0x7d: {  	vm10 =	vle.s32 v26, v2;
	vm11 =	vle.s32 v27, v2  }
0x7e: {  	vm12 =	vle.s32 v28, v2;
	v4 =	vsel vm10, $0x1, v0;
	v5 =	vsel vm11, $0x1, v0  }
0x7f: {  	v29 =	vsel vm12, $0x1, v0;
	v2 =	vadd.s32 v5, v4  }
0x80: {  	v2 =	vadd.s32 v29, v2  }
0x81: {  	v2 =	vadd.s32 v3, v2;
	_ =	sdelay $0x3  }
0x82: {  	v3 =	vld [tilespmem:s22+$0xFFFFFF78]  }
0x83: {  	v2 =	vld.idx.msk [tilespmem:v2+s2+$0x0], $0xffff;
	_ =	sdelay $0x4  }
0x84: {  	v2 =	vadd.f32 v3, v2;
	_ =	sdelay $0x1  }
0x85: {  	[tilespmem:s23+$0xFFFFFFD0] =	vst v2  }
0x86: {  	v2 =	vld [tilespmem:$0xCA0];
	_ =	sdelay $0x4  }
0x87: {  	v2 =	vsub.f32 v1, v2;
	_ =	sdelay $0x1  }
0x88: {  	v2 =	vand.u32 $0x7FFFFFFF, v2  }
0x89: {  	v2 =	vmax.f32 v2, $1.000000000e+00  }
0x8a: {  	v3 =	vshrl.u32 v2, $0x15  }
0x8b: {  	v3 =	vand.u32 $0x3FC, v3;
	_ =	sdelay $0x4  }
0x8c: {  	v30 =	vld.idx.msk [tilespmem:v3+s13+$0x0], $0xffff  }
0x8d: {  	v31 =	vld.idx.msk [tilespmem:v3+s14+$0x0], $0xffff  }
0x8e: {  	v32 =	vld.idx.msk [tilespmem:v3+s15+$0x0], $0xffff;
	_ =	sdelay $0x3  }
0x8f: {  	vm13 =	vle.s32 v30, v2;
	vm14 =	vle.s32 v31, v2  }
0x90: {  	vm15 =	vle.s32 v32, v2;
	v4 =	vsel vm13, $0x1, v0;
	v5 =	vsel vm14, $0x1, v0  }
0x91: {  	v33 =	vsel vm15, $0x1, v0;
	v2 =	vadd.s32 v5, v4  }
0x92: {  	v2 =	vadd.s32 v33, v2  }
0x93: {  	v2 =	vadd.s32 v3, v2;
	_ =	sdelay $0x3  }
0x94: {  	v3 =	vld [tilespmem:s22+$0xFFFFFF88]  }
0x95: {  	v2 =	vld.idx.msk [tilespmem:v2+s2+$0x0], $0xffff;
	_ =	sdelay $0x4  }
0x96: {  	v2 =	vadd.f32 v3, v2;
	_ =	sdelay $0x1  }
0x97: {  	[tilespmem:s23+$0xFFFFFFE0] =	vst v2  }
0x98: {  	v2 =	vld [tilespmem:$0xCB0];
	_ =	sdelay $0x4  }
0x99: {  	v2 =	vsub.f32 v1, v2;
	_ =	sdelay $0x1  }
0x9a: {  	v2 =	vand.u32 $0x7FFFFFFF, v2  }
0x9b: {  	v2 =	vmax.f32 v2, $1.000000000e+00  }
0x9c: {  	v3 =	vshrl.u32 v2, $0x15  }
0x9d: {  	v3 =	vand.u32 $0x3FC, v3;
	_ =	sdelay $0x4  }
0x9e: {  	v34 =	vld.idx.msk [tilespmem:v3+s13+$0x0], $0xffff  }
0x9f: {  	v35 =	vld.idx.msk [tilespmem:v3+s14+$0x0], $0xffff  }
0xa0: {  	v36 =	vld.idx.msk [tilespmem:v3+s15+$0x0], $0xffff;
	_ =	sdelay $0x3  }
0xa1: {  	vm4 =	vle.s32 v34, v2;
	vm5 =	vle.s32 v35, v2  }
0xa2: {  	vm6 =	vle.s32 v36, v2;
	v4 =	vsel vm4, $0x1, v0;
	v5 =	vsel vm5, $0x1, v0  }
0xa3: {  	v37 =	vsel vm6, $0x1, v0;
	v2 =	vadd.s32 v5, v4  }
0xa4: {  	v2 =	vadd.s32 v37, v2  }
0xa5: {  	v2 =	vadd.s32 v3, v2;
	_ =	sdelay $0x3  }
0xa6: {  	v3 =	vld [tilespmem:s22+$0xFFFFFF98]  }
0xa7: {  	v2 =	vld.idx.msk [tilespmem:v2+s2+$0x0], $0xffff;
	_ =	sdelay $0x4  }
0xa8: {  	v2 =	vadd.f32 v3, v2;
	_ =	sdelay $0x1  }
0xa9: {  	[tilespmem:s23+$0xFFFFFFF0] =	vst v2  }
0xaa: {  	v2 =	vld [tilespmem:$0xCC0];
	_ =	sdelay $0x4  }
0xab: {  	v2 =	vsub.f32 v1, v2;
	_ =	sdelay $0x1  }
0xac: {  	v2 =	vand.u32 $0x7FFFFFFF, v2  }
0xad: {  	v2 =	vmax.f32 v2, $1.000000000e+00  }
0xae: {  	v3 =	vshrl.u32 v2, $0x15  }
0xaf: {  	v3 =	vand.u32 $0x3FC, v3;
	_ =	sdelay $0x4  }
0xb0: {  	v38 =	vld.idx.msk [tilespmem:v3+s13+$0x0], $0xffff  }
0xb1: {  	v39 =	vld.idx.msk [tilespmem:v3+s14+$0x0], $0xffff  }
0xb2: {  	v40 =	vld.idx.msk [tilespmem:v3+s15+$0x0], $0xffff;
	_ =	sdelay $0x3  }
0xb3: {  	vm7 =	vle.s32 v38, v2;
	vm8 =	vle.s32 v39, v2  }
0xb4: {  	vm9 =	vle.s32 v40, v2;
	v4 =	vsel vm7, $0x1, v0;
	v5 =	vsel vm8, $0x1, v0  }
0xb5: {  	v41 =	vsel vm9, $0x1, v0;
	v2 =	vadd.s32 v5, v4  }
0xb6: {  	v2 =	vadd.s32 v41, v2  }
0xb7: {  	v2 =	vadd.s32 v3, v2;
	_ =	sdelay $0x3  }
0xb8: {  	v3 =	vld [tilespmem:s22+$0xFFFFFFA8]  }
0xb9: {  	v2 =	vld.idx.msk [tilespmem:v2+s2+$0x0], $0xffff;
	_ =	sdelay $0x4  }
0xba: {  	v2 =	vadd.f32 v3, v2;
	_ =	sdelay $0x1  }
0xbb: {  	[tilespmem:s23+$0x0] =	vst v2  }
0xbc: {  	v2 =	vld [tilespmem:$0xCD0];
	_ =	sdelay $0x4  }
0xbd: {  	v2 =	vsub.f32 v1, v2;
	_ =	sdelay $0x1  }
0xbe: {  	v2 =	vand.u32 $0x7FFFFFFF, v2  }
0xbf: {  	v2 =	vmax.f32 v2, $1.000000000e+00  }
0xc0: {  	v3 =	vshrl.u32 v2, $0x15  }
0xc1: {  	v3 =	vand.u32 $0x3FC, v3;
	_ =	sdelay $0x4  }
0xc2: {  	v42 =	vld.idx.msk [tilespmem:v3+s13+$0x0], $0xffff  }
0xc3: {  	v43 =	vld.idx.msk [tilespmem:v3+s14+$0x0], $0xffff  }
0xc4: {  	v44 =	vld.idx.msk [tilespmem:v3+s15+$0x0], $0xffff;
	_ =	sdelay $0x3  }
0xc5: {  	vm10 =	vle.s32 v42, v2;
	vm11 =	vle.s32 v43, v2  }
0xc6: {  	vm12 =	vle.s32 v44, v2;
	v4 =	vsel vm10, $0x1, v0;
	v5 =	vsel vm11, $0x1, v0  }
0xc7: {  	v45 =	vsel vm12, $0x1, v0;
	v2 =	vadd.s32 v5, v4  }
0xc8: {  	v2 =	vadd.s32 v45, v2  }
0xc9: {  	v2 =	vadd.s32 v3, v2;
	_ =	sdelay $0x3  }
0xca: {  	v3 =	vld [tilespmem:s22+$0xFFFFFFB8]  }
0xcb: {  	v2 =	vld.idx.msk [tilespmem:v2+s2+$0x0], $0xffff;
	_ =	sdelay $0x4  }
0xcc: {  	v2 =	vadd.f32 v3, v2;
	_ =	sdelay $0x1  }
0xcd: {  	[tilespmem:s23+$0x10] =	vst v2  }
0xce: {  	v2 =	vld [tilespmem:$0xCE0];
	_ =	sdelay $0x4  }
0xcf: {  	v2 =	vsub.f32 v1, v2;
	_ =	sdelay $0x1  }
0xd0: {  	v2 =	vand.u32 $0x7FFFFFFF, v2  }
0xd1: {  	v2 =	vmax.f32 v2, $1.000000000e+00  }
0xd2: {  	v3 =	vshrl.u32 v2, $0x15  }
0xd3: {  	v3 =	vand.u32 $0x3FC, v3;
	_ =	sdelay $0x4  }
0xd4: {  	v46 =	vld.idx.msk [tilespmem:v3+s13+$0x0], $0xffff  }
0xd5: {  	v47 =	vld.idx.msk [tilespmem:v3+s14+$0x0], $0xffff  }
0xd6: {  	v48 =	vld.idx.msk [tilespmem:v3+s15+$0x0], $0xffff;
	_ =	sdelay $0x3  }
0xd7: {  	vm13 =	vle.s32 v46, v2;
	vm14 =	vle.s32 v47, v2  }
0xd8: {  	vm15 =	vle.s32 v48, v2;
	v4 =	vsel vm13, $0x1, v0;
	v5 =	vsel vm14, $0x1, v0  }
0xd9: {  	v49 =	vsel vm15, $0x1, v0;
	v2 =	vadd.s32 v5, v4  }
0xda: {  	v2 =	vadd.s32 v49, v2  }
0xdb: {  	v2 =	vadd.s32 v3, v2;
	_ =	sdelay $0x3  }
0xdc: {  	v3 =	vld [tilespmem:s22+$0xFFFFFFC8]  }
0xdd: {  	v2 =	vld.idx.msk [tilespmem:v2+s2+$0x0], $0xffff;
	_ =	sdelay $0x4  }
0xde: {  	v2 =	vadd.f32 v3, v2;
	_ =	sdelay $0x1  }
0xdf: {  	[tilespmem:s23+$0x20] =	vst v2  }
0xe0: {  	v2 =	vld [tilespmem:$0xCF0];
	_ =	sdelay $0x4  }
0xe1: {  	v2 =	vsub.f32 v1, v2;
	_ =	sdelay $0x1  }
0xe2: {  	v2 =	vand.u32 $0x7FFFFFFF, v2  }
0xe3: {  	v2 =	vmax.f32 v2, $1.000000000e+00  }
0xe4: {  	v3 =	vshrl.u32 v2, $0x15  }
0xe5: {  	v3 =	vand.u32 $0x3FC, v3;
	_ =	sdelay $0x4  }
0xe6: {  	v50 =	vld.idx.msk [tilespmem:v3+s13+$0x0], $0xffff  }
0xe7: {  	v51 =	vld.idx.msk [tilespmem:v3+s14+$0x0], $0xffff  }
0xe8: {  	v52 =	vld.idx.msk [tilespmem:v3+s15+$0x0], $0xffff;
	_ =	sdelay $0x3  }
0xe9: {  	vm4 =	vle.s32 v50, v2;
	vm5 =	vle.s32 v51, v2  }
0xea: {  	vm6 =	vle.s32 v52, v2;
	v4 =	vsel vm4, $0x1, v0;
	v5 =	vsel vm5, $0x1, v0  }
0xeb: {  	v53 =	vsel vm6, $0x1, v0;
	v2 =	vadd.s32 v5, v4  }
0xec: {  	v2 =	vadd.s32 v53, v2  }
0xed: {  	v2 =	vadd.s32 v3, v2;
	_ =	sdelay $0x3  }
0xee: {  	v3 =	vld [tilespmem:s22+$0xFFFFFFD8]  }
0xef: {  	v2 =	vld.idx.msk [tilespmem:v2+s2+$0x0], $0xffff;
	_ =	sdelay $0x4  }
0xf0: {  	v2 =	vadd.f32 v3, v2;
	_ =	sdelay $0x1  }
0xf1: {  	[tilespmem:s23+$0x30] =	vst v2  }
0xf2: {  	v2 =	vld [tilespmem:$0xD00];
	_ =	sdelay $0x4  }
0xf3: {  	v2 =	vsub.f32 v1, v2;
	_ =	sdelay $0x1  }
0xf4: {  	v2 =	vand.u32 $0x7FFFFFFF, v2  }
0xf5: {  	v2 =	vmax.f32 v2, $1.000000000e+00  }
0xf6: {  	v3 =	vshrl.u32 v2, $0x15  }
0xf7: {  	v3 =	vand.u32 $0x3FC, v3;
	_ =	sdelay $0x4  }
0xf8: {  	v54 =	vld.idx.msk [tilespmem:v3+s13+$0x0], $0xffff  }
0xf9: {  	v55 =	vld.idx.msk [tilespmem:v3+s14+$0x0], $0xffff  }
0xfa: {  	v56 =	vld.idx.msk [tilespmem:v3+s15+$0x0], $0xffff;
	_ =	sdelay $0x3  }
0xfb: {  	vm7 =	vle.s32 v54, v2;
	vm8 =	vle.s32 v55, v2  }
0xfc: {  	vm9 =	vle.s32 v56, v2;
	v4 =	vsel vm7, $0x1, v0;
	v5 =	vsel vm8, $0x1, v0  }
0xfd: {  	v57 =	vsel vm9, $0x1, v0;
	v2 =	vadd.s32 v5, v4  }
0xfe: {  	v2 =	vadd.s32 v57, v2  }
0xff: {  	v2 =	vadd.s32 v3, v2;
	_ =	sdelay $0x3  }
0x100: {  	v3 =	vld [tilespmem:s22+$0xFFFFFFE8]  }
0x101: {  	v2 =	vld.idx.msk [tilespmem:v2+s2+$0x0], $0xffff;
	_ =	sdelay $0x4  }
0x102: {  	v2 =	vadd.f32 v3, v2;
	_ =	sdelay $0x1  }
0x103: {  	[tilespmem:s23+$0x40] =	vst v2  }
0x104: {  	v2 =	vld [tilespmem:$0xD10];
	_ =	sdelay $0x4  }
0x105: {  	v2 =	vsub.f32 v1, v2;
	_ =	sdelay $0x1  }
0x106: {  	v2 =	vand.u32 $0x7FFFFFFF, v2  }
0x107: {  	v2 =	vmax.f32 v2, $1.000000000e+00  }
0x108: {  	v3 =	vshrl.u32 v2, $0x15  }
0x109: {  	v3 =	vand.u32 $0x3FC, v3;
	_ =	sdelay $0x4  }
0x10a: {  	v58 =	vld.idx.msk [tilespmem:v3+s13+$0x0], $0xffff  }
0x10b: {  	v59 =	vld.idx.msk [tilespmem:v3+s14+$0x0], $0xffff  }
0x10c: {  	v60 =	vld.idx.msk [tilespmem:v3+s15+$0x0], $0xffff;
	_ =	sdelay $0x3  }
0x10d: {  	vm10 =	vle.s32 v58, v2;
	vm11 =	vle.s32 v59, v2  }
0x10e: {  	vm12 =	vle.s32 v60, v2;
	v4 =	vsel vm10, $0x1, v0;
	v5 =	vsel vm11, $0x1, v0  }
0x10f: {  	v61 =	vsel vm12, $0x1, v0;
	v2 =	vadd.s32 v5, v4  }
0x110: {  	v2 =	vadd.s32 v61, v2  }
0x111: {  	v2 =	vadd.s32 v3, v2;
	_ =	sdelay $0x3  }
0x112: {  	v3 =	vld [tilespmem:s22+$0xFFFFFFF8]  }
0x113: {  	v2 =	vld.idx.msk [tilespmem:v2+s2+$0x0], $0xffff;
	_ =	sdelay $0x4  }
0x114: {  	v2 =	vadd.f32 v3, v2;
	_ =	sdelay $0x1  }
0x115: {  	[tilespmem:s23+$0x50] =	vst v2  }
0x116: {  	v2 =	vld [tilespmem:$0xD18];
	_ =	sdelay $0x4  }
0x117: {  	v1 =	vsub.f32 v1, v2;
	_ =	sdelay $0x1  }
0x118: {  	v1 =	vand.u32 $0x7FFFFFFF, v1  }
0x119: {  	v1 =	vmax.f32 v1, $1.000000000e+00  }
0x11a: {  	v2 =	vshrl.u32 v1, $0x15  }
0x11b: {  	v2 =	vand.u32 $0x3FC, v2;
	_ =	sdelay $0x4  }
0x11c: {  	v3 =	vld.idx.msk [tilespmem:v2+s13+$0x0], $0xffff  }
0x11d: {  	v62 =	vld.idx.msk [tilespmem:v2+s14+$0x0], $0xffff  }
0x11e: {  	v63 =	vld.idx.msk [tilespmem:v2+s15+$0x0], $0xffff;
	_ =	sdelay $0x3  }
0x11f: {  	vm13 =	vle.s32 v3, v1;
	vm14 =	vle.s32 v62, v1  }
0x120: {  	vm15 =	vle.s32 v63, v1;
	v3 =	vsel vm13, $0x1, v0;
	v4 =	vsel vm14, $0x1, v0  }
0x121: {  	v1 =	vadd.s32 v4, v3;
	v3 =	vsel vm15, $0x1, v0  }
0x122: {  	v1 =	vadd.s32 v3, v1  }
0x123: {  	v1 =	vadd.s32 v2, v1;
	_ =	sdelay $0x3  }
0x124: {  	v2 =	vld [tilespmem:s22+$0x0]  }
0x125: {  	v1 =	vld.idx.msk [tilespmem:v1+s2+$0x0], $0xffff;
	_ =	sdelay $0x1  }
0x126: {  	p1 =	sne.s32 s21, $0xC8  }
.Ltmp0:
0x127: {  	_ = 	snop;
	(pc) =	sbr.rel @p1 .LBB2_3-.Ltmp0, $3  }
0x128: {  	_ = 	snop  }
0x129: {  	v1 =	vadd.f32 v2, v1;
	_ =	sdelay $0x1  }
0x12a: {  	s21 =	sadd.s32 $0x1, s21;
	s22 =	sadd.s32 $0xFFFFFFFF, s22;
	[tilespmem:s23+$0x58] =	vst v1;
	s23 =	sadd.s32 $0xC8, s23  }
0x12b: {  	s20 =	smul.u32 $0x1388, s20;
	_ =	sdelay $0x1  }
0x12c: {  	s20 =	sadd.s32 s1, s20  }
0x12d: {  	[hbm4b:s20+s2] =	stream.linear.scatter [tilespmem:s18], [sflag:$0x1], $0x9C40, $0x38;
	[tilespmem:$0xA978] =	vst v63  }
.Ltmp1:
0x12e: {  	_ = 	snop;
	(pc) =	sbr.rel @p0 .LBB2_2-.Ltmp1, $4  }
0x12f: {  	s20 =	simm.s32 $0x1  }
0x130: {  	_ =	swait.ge [sflag:s20], $0x9C40  }
0x131: {  	[sflag:s20] =	ssyncset.done $0x0  }
0x132: {  	p1 =	por $0x0, $0x0;
	[sflag:s20] =	ssyncadd.s32 $0xFFFF63C0  }
0x133: {  	s19 =	sadd.s32 $0x1, s19  }
0x134: {  	p0 =	sne.s32 s19, s11  }
.Ltmp2:
0x135: {  	_ = 	snop;
	(pc) =	sbr.rel @p0 .LBB2_1-.Ltmp2, $1  }
0x136: {  	_ =	sdelay $0x3  }
0x137: {  	_ =	sfence.sel $0x180000  }
0x138: {  	[bflag:$0x0] =	sbarrier.arrive $0xFFFF  }
0x139: {  	p0 =	sne.s32 s5, $0x0;
	_ =	strace $0x90000047  }
0x13a: {  	s0 =	sadd.s32 @!p0 $0x100000, s0;
	[bflag:$0x2] =	sbarrier.arrive $0xFFFF  }
0x13b: {  	[sflag:s0] =	ssyncadd.tile.s32 @!p0 $0x1;
	_ =	shalt  }
.Lfunc_end2:
_tile_overlayer_lowered:
.L_overlay_start_2:
0x13c: {  	(tag) =	ssettag $0x2  }
0x13d: {  	s0 =	rddreg [dreg:$0x0];
	s2 =	stileid.u32  }
0x13e: {  	s1 =	rddreg [dreg:$0x1];
	p0 =	sne.s32 s2, $0x0  }
0x13f: {  	s3 =	rddreg [dreg:$0x2];
	[bflag:$0x3] =	sbarrier.arrive $0xFFFF;
	s2 =	simm.s32 @!p0 $0x1C01  }
0x140: {  	[timem:s3], [sflag:s2] =	dma.local @!p0 [hbm:s0], s1  }
0x141: {  	s0 =	simm.s32 @!p0 $0x1  }
0x142: {  	_ =	swait.ge @!p0 [sflag:s0], s1  }
0x143: {  	s1 =	ssub.s32 @!p0 $0x0, s1;
	[sflag:s0] =	ssyncset.done @!p0 $0x0  }
0x144: {  	[sflag:s0] =	ssyncadd.s32 @!p0 s1  }
0x145: {  	[bflag:$0x3] =	sbarrier.arrive $0xFFFF  }
0x146: {  	_ =	shalt  }

// kernel: sparse-core-data-format-call.cloned.1.call-start
scs
called_computation_lowered:
.L_overlay_start_0:
0x0: {  	s2 =	sld [smem:$0x3FD9]  }
0x1: {  	s3 =	sld [smem:$0x3FFE];
	_ =	sdelay $0x1  }
0x2: {  	s1 =	srdreg.scid  }
0x3: {  	s0 =	sand.u32 $0x1, s1  }
0x4: {  	s18 =	sshll.u32 s0, $0xA;
	s2 =	sadd.s32 s3, s2  }
0x5: {  	s2 =	sadd.s32 s2, s18  }
0x6: {  	[smem:$0x3FC5] =	sst s2  }
0x7: {  	_ = 	snop  }
0x8: {  	s2 =	sld [smem:$0x3FD0];
	(tm) =	ssettm $0x1  }
0x9: {  	s19 =	sld [smem:$0x3FFB];
	_ =	sdelay $0x3  }
0xa: {  	_ =	strace s19  }
0xb: {  	s3 =	sld [smem:$0x3FFC];
	_ =	sdelay $0x3  }
0xc: {  	_ =	strace s3  }
0xd: {  	s3 =	sld [smem:$0x3FFD];
	_ =	sdelay $0x3  }
0xe: {  	_ =	strace s3  }
0xf: {  	_ =	strace $0x8FFFFFFF  }
0x10: {  	s20 =	sld [smem:$0x3FDB];
	_ =	sdelay $0x1  }
0x11: {  	s4 =	simm.s32 $_scs_section_size  }
0x12: {  	s5 =	simm.s32 $_size__tile_overlayer_lowered;
	s6 =	simm.s32 $_tile_overlayer_lowered  }
0x13: {  	s23 =	simm.s32 $0x1BFF;
	s22 =	sshll.u32 s6, $0x1;
	s3 =	sadd.s32 s4, s20  }
0x14: {  	s7 =	simm.s32 $0x0;
	s21 =	sshll.u32 s5, $0x1;
	s5 =	sadd.s32 s22, s3  }
0x15: {  	[timem:s7], [sflag:s23] =	dma.local [hbm:s5], s21  }
0x16: {  	_ =	swait.ge [sflag:s23], s21  }
0x17: {  	s4 =	ssub.s32 $0x0, s21;
	[sflag:s23] =	ssyncset.done $0x0  }
0x18: {  	[sflag:s23] =	ssyncadd.s32 s4;
	_ =	sdelay $0x1  }
0x19: {  	s24 =	simm.s32 $0x1B8B  }
0x1a: {  	_ =	swait.ge [sflag:s24], $0x1  }
0x1b: {  	[sflag:s24] =	ssyncset.done $0x0  }
0x1c: {  	s26 =	simm.s32 $0x1B8E;
	s25 =	sld [smem:$0x3FFE];
	[sflag:s24] =	ssyncadd.s32 $0xFFFFFFFF  }
0x1d: {  	s27 =	simm.s32 $execute0_lowered;
	[smem:$0x3FD2] =	sst s26  }
0x1e: {  	s5 =	sshll.u32 s27, $0x1;
	_ =	strace $0x80000049;
	[dreg:$0x1] =	wrdreg $0xFFFFFFFF  }
0x1f: {  	s28 =	simm.s32 $_size_execute0_lowered;
	s3 =	sadd.s32 s3, s5;
	[dreg:$0x0] =	wrdreg $0x0  }
0x20: {  	s5 =	sshll.u32 s28, $0x1;
	[dreg:$0x2] =	wrdreg s3  }
0x21: {  	[dreg:$0x3] =	wrdreg s5  }
0x22: {  	[dreg:$0x4] =	wrdreg $0xC0  }
0x23: {  	_ =	task [dreg:s7], $0x5FFFF  }
0x24: {  	[dreg:$0x1] =	wrdreg $0xFFFFFFFF  }
0x25: {  	[dreg:$0x0] =	wrdreg $0x60  }
0x26: {  	[dreg:$0x2] =	wrdreg s25  }
0x27: {  	[dreg:$0x3] =	wrdreg s2  }
0x28: {  	[dreg:$0x4] =	wrdreg $0x9  }
0x29: {  	_ =	task.clear_ibuf [dreg:s7], $0x5FFFF;
	_ =	strace $0x90000049  }
0x2a: {  	s29 =	simm.s32 $0x9;
	_ =	strace $0x8000004B  }
0x2b: {  	_ =	swait.ge [sflag:s29], $0x1  }
0x2c: {  	[sflag:s29] =	ssyncadd.s32 $0xFFFFFFFF  }
0x2d: {  	_ =	strace $0x9000004B  }
0x2e: {  	_ =	sfence  }
0x2f: {  	s30 =	sld [smem:$0x0];
	_ =	sdelay $0x2  }
0x30: {  	s31 =	sshll.u32 s1, $0xD;
	s1 =	sshrl.u32 s1, $0x2  }
0x31: {  	s3 =	sand.u32 $0x4000, s31;
	s1 =	sadd.s32 s1, s30  }
0x32: {  	s0 =	sor.u32 s3, s0;
	s1 =	sshll.u32 s1, $0x11  }
0x33: {  	s0 =	sor.u32 s1, s0  }
0x34: {  	s0 =	sadd.s32 $0x8F2B, s0  }
0x35: {  	[sflag:s0] =	ssyncadd.remote.s32 $0x1  }
0x36: {  	_ =	sfence.sel $0xFFFF  }
0x37: {  	[dreg:$0x0] =	wrdreg $0xFFFFFFFF;
	(pc) =	sbr.abs _section_cstart, $3  }
0x38: {  	[dreg:$0x1] =	wrdreg $0xFFFFFFFF  }
0x39: {  	_ =	task.clear_ibuf [dreg:s7], $0x2FFFF;
	_ =	strace $0x9FFFFFFF  }
0x3a: {  	(tm) =	ssettm $0x7FFFFFFF  }
0x3b: {  	_ =	shalt  }
tec
execute0_lowered:
.L_overlay_start_1:
0x0: {  	(tag) =	ssettag $0x1  }
0x1: {  	s4 =	rddreg [dreg:$0x0]  }
0x2: {  	s0 =	stileid.u32;
	s2 =	rddreg [dreg:$0x1]  }
0x3: {  	s1 =	rddreg [dreg:$0x2];
	_ =	strace $0x8000004A;
	s10 =	srdreg.scid  }
0x4: {  	s31 =	simm.s32 $0x2;
	s18 =	simm.s32 $0x0;
	s11 =	simm.s32 $0x2000  }
0x5: {  	s19 =	simm.s32 $0x0;
	s20 =	simm.s32 $0x0;
	s12 =	simm.s32 $0x0  }
0x6: {  	s13 =	simm.s32 $0x0;
	s14 =	simm.s32 $0x0;
	s3 =	sshll.u32 s0, $0x7  }
0x7: {  	s17 =	simm.s32 $0x0;
	s4 =	sadd.s32 $0x1A00, s4;
	s3 =	sand.u32 $0x380, s3  }
0x8: {  	s5 =	sshrl.u32 s0, $0x3;
	s30 =	sshll.u32 s10, $0x7;
	s6 =	ssub.s32 $0x400, s3  }
0x9: {  	s8 =	ssub.s32 $0xC8, s5;
	s7 =	sshrl.u32 s6, $0xA;
	s6 =	sand.u32 $0x380, s6  }
0xa: {  	s9 =	sshrl.u32 s8, $0x1;
	p0 =	sne.s32 s6, $0x0;
	s6 =	simm.s32 $0x1  }
.Ltmp0:
0xb: {  	s8 =	sand.u32 $0x1, s8;
	s6 =	simm.s32 @!p0 $0x0;
	(pc) =	sbr.rel .LBB1_1-.Ltmp0, $4  }
0xc: {  	s15 =	smov.u32 s5;
	s8 =	sadd.s32 s8, s9;
	s7 =	sadd.s32 s6, s7  }
0xd: {  	s16 =	smov.u32 s3;
	s6 =	simm.s32 $0x1;
	s7 =	smul.u32 s8, s7  }
0xe: {  	p0 =	por $0x0, $0x0;
	s8 =	sand.u32 $0x80, s30;
	[sflag:s6] =	ssyncpa.u1 $0x0  }
0xf: {  	[sflag:s31] =	ssyncpa.u1 $0x0;
	s9 =	sshll.u32 s8, $0x3;
	s10 =	sadd.s32 $0x1, s7  }
.LBB1_4:
0x10: {  	s25 =	sshra.s32 s25, $0x2;
	s26 =	sshrl.u32 s14, $0x7;
	p1 =	sgt.s32 s14, $0x380  }
0x11: {  	s27 =	sshra.s32 s14, $0x1F;
	s29 =	smov.u32 s13;
	s31 =	sshra.s32 s13, $0x1F  }
0x12: {  	s24 =	sadd.s32 s25, s24;
	s30 =	sadd.s32 s26, s12;
	s26 =	smov.u32 s14  }
0x13: {  	v5 =	vld [tilespmem:s22+$0xFFFFFFD0];
	[tilespmem:s23+$0x2040 ss:$0x81] =	vst.msk $0xffff, v4;
	s27 =	sand.u32 s27, s14;
	s25 =	sand.u32 $0x3FFFFF, s30;
	s26 =	simm.s32 @!p1 $0x380  }
0x14: {  	v58 =	vld [tilespmem:s22+$0xFFFFFFE0];
	[tilespmem:s23+$0x2850 ss:$0x81] =	vst.msk $0xffff, v3;
	p1 =	sgt.s32 s13, $0xC7;
	s28 =	smulhi.u32 $0x147AE15, s25;
	s26 =	ssub.s32 s26, s27  }
0x15: {  	v59 =	vld [tilespmem:s22+$0xFFFFFFF0];
	[tilespmem:s23+$0x3060 ss:$0x81] =	vst.msk $0xffff, v2;
	s29 =	simm.s32 @!p1 $0xC7;
	s27 =	sand.u32 s31, s13;
	p1 =	sgt.s32 s12, $0x48  }
0x16: {  	v60 =	vld [tilespmem:s22+$0x0];
	[tilespmem:s23+$0x0 ss:$0x81] =	vst.msk $0xffff, v1;
	s23 =	ssub.s32 s29, s27;
	s27 =	smov.u32 s12;
	s30 =	sadd.s32 $0xFFFFFC80, s26  }
0x17: {  	v61 =	vld [tilespmem:s22+$0x10];
	[tilespmem:s24+$0x3870 ss:$0x81] =	vst.msk $0xffff, v0;
	s26 =	ssub.s32 $0x400, s26;
	s27 =	simm.s32 @!p1 $0x48;
	p1 =	sgt.s32 s30, $0x7F  }
0x18: {  	v62 =	vld [tilespmem:s22+$0x20];
	s28 =	smul.u32 $0xC8, s28;
	[tilespmem:s24+$0x810 ss:$0x81] =	vst.msk $0xffff, v5;
	s27 =	ssub.s32 $0xC8, s27;
	s26 =	simm.s32 @p1 $0x0  }
0x19: {  	v63 =	vld [tilespmem:s22+$0xFFFFFFC0];
	s29 =	sand.u32 $0x7, s14;
	s31 =	sadd.s32 $0xFFFFFF39, s23;
	[tilespmem:s24+$0x1020 ss:$0x81] =	vst.msk $0xffff, v58;
	s26 =	smul.u32 s27, s26  }
0x1a: {  	s22 =	ssub.s32 $0xC8, s23;
	[tilespmem:s24+$0x1830 ss:$0x81] =	vst.msk $0xffff, v59;
	p1 =	sgt.s32 s31, $0x0;
	s27 =	smul.u32 $0x6400, s13  }
0x1b: {  	[tilespmem:s24+$0x2040 ss:$0x81] =	vst.msk $0xffff, v60;
	s22 =	simm.s32 @p1 $0x0;
	s25 =	ssub.s32 s25, s28;
	s28 =	sshrl.u32 s14, $0x3  }
0x1c: {  	[tilespmem:s24+$0x2850 ss:$0x81] =	vst.msk $0xffff, v61;
	s23 =	sand.u32 $0xF, s28;
	s22 =	smul.u32 s22, s26;
	s26 =	sadd.s32 s2, s27  }
0x1d: {  	[tilespmem:s24+$0x3060 ss:$0x81] =	vst.msk $0xffff, v62;
	s30 =	sshll.u32 s29, $0x12;
	s25 =	sshll.u32 s25, $0x7;
	s23 =	sadd.s32 s23, s26  }
0x1e: {  	[tilespmem:s24+$0x0 ss:$0x81] =	vst.msk $0xffff, v63;
	s31 =	sor.u32 $0x400, s30;
	s22 =	sand.u32 $0x3FFFFFFF, s22;
	s23 =	sadd.s32 s25, s23  }
0x1f: {  	[hbm4b:s23+s31] =	stream.strided.scatter [tilespmem:s21], [sflag:$0x2], s22, s11, s31, $0x20;
	[tilespmem:$0x10100] =	vst v63  }
.LBB1_5:
0x20: {  	p1 =	slt.u32 s17, $0x2;
	s21 =	smov.u32 s19  }
0x21: {  	s22 =	smov.u32 s20;
	p2 =	sgt.s32 @!p1 s19, $0xC7;
	p3 =	sgt.s32 @!p1 s20, $0x380  }
0x22: {  	s23 =	sshra.s32 @!p1 s20, $0x1F;
	p2 =	por !p2, p1;
	p3 =	por !p3, p1  }
0x23: {  	s20 =	sand.u32 @!p1 s23, s20;
	s21 =	simm.s32 @p2 $0xC7;
	s22 =	simm.s32 @p3 $0x380  }
0x24: {  	p2 =	sgt.s32 @!p1 s18, $0x48;
	s20 =	ssub.s32 @!p1 s22, s20;
	s22 =	sshra.s32 @!p1 s19, $0x1F  }
0x25: {  	p2 =	por !p2, p1;
	s19 =	sand.u32 @!p1 s22, s19;
	s22 =	sadd.s32 @!p1 $0xFFFFFC80, s20  }
0x26: {  	s18 =	simm.s32 @p2 $0x48;
	s19 =	ssub.s32 @!p1 s21, s19;
	p2 =	sgt.s32 @!p1 s22, $0x7F  }
0x27: {  	s20 =	ssub.s32 @!p1 $0x400, s20;
	s21 =	sadd.s32 @!p1 $0xFFFFFF39, s19;
	p2 =	por !p2, p1  }
0x28: {  	s18 =	ssub.s32 @!p1 $0xC8, s18;
	s20 =	simm.s32 @!p2 $0x0;
	p2 =	sgt.s32 @!p1 s21, $0x0  }
0x29: {  	s19 =	ssub.s32 @!p1 $0xC8, s19;
	p2 =	por !p2, p1;
	s18 =	smul.u32 @!p1 s18, s20  }
0x2a: {  	s23 =	smov.u32 s16;
	s21 =	sadd.s32 $0x2, s15;
	s19 =	simm.s32 @!p2 $0x0  }
0x2b: {  	p2 =	sgt.s32 s21, $0xC7;
	s18 =	smul.u32 @!p1 s19, s18;
	s19 =	sadd.s32 $0x400, s16  }
0x2c: {  	s25 =	sadd.s32 $0x1, s17;
	s23 =	smov.u32 @p2 s19  }
0x2d: {  	p0 =	por !p0, !p0;
	s21 =	smov.u32 @p2 s5;
	p2 =	sgt.s32 s23, $0x3FF  }
0x2e: {  	s22 =	simm.s32 @!p1 $0x2;
	s23 =	smov.u32 @p2 s3;
	p2 =	sne.s32 s17, s10  }
.Ltmp1:
0x2f: {  	s20 =	smov.u32 s14;
	s14 =	smov.u32 s16;
	(pc) =	sbr.rel @!p2 .LBB1_6-.Ltmp1, $4  }
0x30: {  	s19 =	smov.u32 s13;
	s13 =	smov.u32 s15;
	s18 =	sand.u32 @!p1 $0x3FFFFFFF, s18  }
0x31: {  	s15 =	smov.u32 s21;
	_ =	swait.ge @!p1 [sflag:s22], s18;
	s24 =	ssub.s32 @!p1 $0x0, s18  }
0x32: {  	s18 =	smov.u32 s12;
	s12 =	smov.u32 s8;
	[sflag:s22] =	ssyncset.done @!p1 $0x0  }
0x33: {  	s17 =	smov.u32 s25;
	s16 =	smov.u32 s23;
	[sflag:s22] =	ssyncadd.s32 @!p1 s24  }
.LBB1_1:
0x34: {  	p1 =	sge.u32 s17, s7  }
0x35: {  	s21 =	sshll.u32 @!p1 s15, $0x8  }
0x36: {  	s22 =	sshll.u32 @!p1 s15, $0x7;
	s21 =	sand.u32 @!p1 $0xFFFFF800, s21  }
0x37: {  	s22 =	sand.u32 @!p1 $0x300, s22;
	s21 =	sor.u32 @!p1 s9, s21  }
0x38: {  	s21 =	sor.u32 @!p1 s22, s21  }
0x39: {  	s21 =	sshrl.u32 @!p1 s21, $0x8  }
0x3a: {  	s22 =	smulhi.u32 @!p1 $0x147AE15, s21;
	_ =	sdelay $0x1  }
0x3b: {  	s22 =	smul.u32 @!p1 $0xC8, s22  }
0x3c: {  	s31 =	sadd.s32 $0xFFFFFFFF, s17;
	s23 =	smul.u32 @!p1 $0x1900, s16  }
0x3d: {  	s24 =	sxor.u32 @!p1 $0xFFFFFFFF, s17;
	s21 =	ssub.s32 @!p1 s21, s22;
	s22 =	sshll.u32 @!p1 s15, $0x4  }
0x3e: {  	s24 =	sshll.u32 @!p1 s24, $0xE;
	s23 =	sadd.s32 @!p1 s4, s23;
	s22 =	sand.u32 @!p1 $0x10, s22  }
0x3f: {  	s24 =	sand.u32 @!p1 $0x4000, s24;
	s21 =	sshll.u32 @!p1 s21, $0x5;
	s22 =	sadd.s32 @!p1 s22, s23  }
0x40: {  	s23 =	simm.s32 @!p1 $0xC800;
	s21 =	sadd.s32 @!p1 s21, s22;
	s22 =	simm.s32 @!p1 $0x80  }
0x41: {  	[tilespmem:s24], [sflag:$0x1] =	stream.strided.gather @!p1 [hbm4b:s21+s22], $0x4000, s23, s22, $0x38;
	[tilespmem:$0x10100] =	vst v63  }
0x42: {  	p1 =	sge.u32 s31, s7  }
.Ltmp2:
0x43: {  	_ = 	snop;
	(pc) =	sbr.rel @p1 .LBB1_5-.Ltmp2, $1  }
0x44: {  	_ =	sdelay $0x3  }
0x45: {  	s21 =	simm.s32 $0x1  }
0x46: {  	_ =	swait.ge [sflag:s6], $0x4000;
	s21 =	simm.s32 @!p0 $0x0  }
0x47: {  	[sflag:s6] =	ssyncset.done $0x0;
	s22 =	sshll.u32 s21, $0xE  }
0x48: {  	[sflag:s6] =	ssyncadd.s32 $0xFFFFC000;
	s22 =	sor.u32 $0x40, s22  }
0x49: {  	s21 =	smul.u32 $0x10200, s21;
	v0 =	vld [tilespmem:s22+$0x30]  }
0x4a: {  	v1 =	vld [tilespmem:s22+$0xFFFFFFD0]  }
0x4b: {  	s21 =	sshrl.u32 s21, $0x2;
	v5 =	vld [tilespmem:s22+$0xFFFFFFE0]  }
0x4c: {  	v6 =	vld [tilespmem:s22+$0xFFFFFFF0];
	s24 =	sor.u32 $0x8000, s21  }
0x4d: {  	s31 =	sand.u32 $0x1, s17;
	v4 =	vld [tilespmem:s22+$0x0];
	s23 =	sadd.s32 $0x0, s24  }
0x4e: {  	v3 =	vld [tilespmem:s22+$0x10];
	s21 =	smul.u32 $0x10200, s31;
	[tilespmem:s23+$0x3870 ss:$0x81] =	vst.msk $0xffff, v0  }
0x4f: {  	v2 =	vld [tilespmem:s22+$0x20];
	[tilespmem:s23+$0x810 ss:$0x81] =	vst.msk $0xffff, v1  }
0x50: {  	s21 =	sshrl.u32 s21, $0x2;
	v1 =	vld [tilespmem:s22+$0xFFFFFFC0];
	[tilespmem:s23+$0x1020 ss:$0x81] =	vst.msk $0xffff, v5;
	s22 =	sadd.s32 $0x80, s22  }
0x51: {  	s25 =	simm.s32 $0x4;
	s26 =	simm.s32 $0x8;
	s21 =	sor.u32 $0x8000, s21;
	[tilespmem:s23+$0x1830 ss:$0x81] =	vst.msk $0xffff, v6;
	v0 =	vld [tilespmem:s22+$0x30]  }
.LBB1_3:
0x52: {  	p1 =	sne.s32 s26, $0x1FC;
	v5 =	vld [tilespmem:s22+$0xFFFFFFD0];
	[tilespmem:s23+$0x2040 ss:$0x81] =	vst.msk $0xffff, v4  }
0x53: {  	v6 =	vld [tilespmem:s22+$0xFFFFFFE0];
	[tilespmem:s23+$0x2850 ss:$0x81] =	vst.msk $0xffff, v3  }
0x54: {  	s27 =	sshra.s32 s25, $0x2;
	s25 =	smov.u32 s26;
	v7 =	vld [tilespmem:s22+$0xFFFFFFF0];
	[tilespmem:s23+$0x3060 ss:$0x81] =	vst.msk $0xffff, v2  }
.Ltmp3:
0x55: {  	v4 =	vld [tilespmem:s22+$0x0];
	[tilespmem:s23+$0x0 ss:$0x81] =	vst.msk $0xffff, v1;
	s23 =	sadd.s32 s27, s24;
	(pc) =	sbr.rel @p1 .LBB1_3-.Ltmp3, $4  }
0x56: {  	v3 =	vld [tilespmem:s22+$0x10];
	[tilespmem:s23+$0x3870 ss:$0x81] =	vst.msk $0xffff, v0  }
0x57: {  	[tilespmem:s23+$0x810 ss:$0x81] =	vst.msk $0xffff, v5;
	v2 =	vld [tilespmem:s22+$0x20]  }
0x58: {  	v1 =	vld [tilespmem:s22+$0xFFFFFFC0];
	[tilespmem:s23+$0x1020 ss:$0x81] =	vst.msk $0xffff, v6;
	s22 =	sadd.s32 $0x80, s22  }
0x59: {  	s26 =	sadd.s32 $0x4, s26;
	v0 =	vld [tilespmem:s22+$0x30];
	[tilespmem:s23+$0x1830 ss:$0x81] =	vst.msk $0xffff, v7  }
.Ltmp4:
0x5a: {  	_ = 	snop;
	(pc) =	sbr.rel .LBB1_4-.Ltmp4, $1  }
0x5b: {  	_ =	sdelay $0x3  }
.LBB1_6:
0x5c: {  	_ =	sfence.sel $0x180000  }
0x5d: {  	s2 =	simm.s32 $0x1;
	[bflag:$0x0] =	sbarrier.arrive $0xFFFF  }
0x5e: {  	s31 =	simm.s32 $0x2;
	[sflag:s2] =	ssyncpa.u1 $0x1  }
0x5f: {  	[sflag:s31] =	ssyncpa.u1 $0x1  }
0x60: {  	p0 =	sne.s32 s0, $0x0;
	_ =	strace $0x9000004A  }
0x61: {  	s0 =	sadd.s32 @!p0 $0x100000, s1;
	[bflag:$0x2] =	sbarrier.arrive $0xFFFF  }
0x62: {  	[sflag:s0] =	ssyncadd.tile.s32 @!p0 $0x1;
	_ =	shalt  }
.Lfunc_end1:
_tile_overlayer_lowered:
.L_overlay_start_2:
0x63: {  	(tag) =	ssettag $0x2  }
0x64: {  	s0 =	rddreg [dreg:$0x0];
	s2 =	stileid.u32  }
0x65: {  	s1 =	rddreg [dreg:$0x1];
	p0 =	sne.s32 s2, $0x0  }
0x66: {  	s3 =	rddreg [dreg:$0x2];
	[bflag:$0x3] =	sbarrier.arrive $0xFFFF;
	s2 =	simm.s32 @!p0 $0x1C01  }
0x67: {  	[timem:s3], [sflag:s2] =	dma.local @!p0 [hbm:s0], s1  }
0x68: {  	s0 =	simm.s32 @!p0 $0x1  }
0x69: {  	_ =	swait.ge @!p0 [sflag:s0], s1  }
0x6a: {  	s1 =	ssub.s32 @!p0 $0x0, s1;
	[sflag:s0] =	ssyncset.done @!p0 $0x0  }
0x6b: {  	[sflag:s0] =	ssyncadd.s32 @!p0 s1  }
0x6c: {  	[bflag:$0x3] =	sbarrier.arrive $0xFFFF  }
0x6d: {  	_ =	shalt  }

</sc_bundles>
